<compile_context>
chip_gen: v7x
topology: tpu7x:2x2x1
jax: 0.10.2.dev20260603
libtpu: 0.0.44.dev20260713+nightly
codegen_flags: <defaults>
</compile_context>

<pallas_src>
import functools

import jax
import jax.numpy as jnp
from jax import lax
from jax.experimental import pallas as pl
from jax.experimental.pallas import tpu as pltpu
from jax.experimental.pallas import tpu_sc as plsc

_N = 10000
_E = 320000
_D = 128
_H = 64
_C = 40

_NW = 32
_CH = 128
_NCH = 79
_GRP = 8
_NGRP = _NCH // _GRP
_EPW = _NCH * _CH
_EPAD = _NW * _EPW
_NP = 10240
_HP = 128
_RPT = 640


def _make_sc_body(width, nb, seed_x):

    def body_fn(x_hbm, src_hbm, dst_hbm, out_hbm,
                sidx_v, didx_v, rows_v, agg_sp, gsem):
        c = lax.axis_index("c")
        s = lax.axis_index("s")
        w = s * 2 + c
        r0 = s * _RPT
        pltpu.sync_copy(x_hbm.at[pl.ds(r0, _RPT)],
                        agg_sp.at[pl.ds(r0, _RPT)])
        pltpu.sync_copy(src_hbm.at[w], sidx_v)
        pltpu.sync_copy(dst_hbm.at[w], didx_v)
        plsc.subcore_barrier()

        def body(ci, carry):
            pltpu.async_copy(
                x_hbm.at[sidx_v.at[ci]], rows_v, gsem).wait()
            pltpu.sync_copy(rows_v, agg_sp.at[didx_v.at[ci]], add=True)
            return carry

        lax.fori_loop(0, _NCH, body, 0)
        plsc.subcore_barrier()
        pltpu.sync_copy(agg_sp.at[pl.ds(r0, _RPT)],
                        out_hbm.at[c, pl.ds(r0, _RPT)])

    return body_fn


def _make_sc_segsum(width, nb, seed_x):
    return functools.partial(
        pl.kernel,
        _make_sc_body(width, nb, seed_x),
        out_type=jax.ShapeDtypeStruct((2, _NP, width), jnp.float32),
        mesh=plsc.VectorSubcoreMesh(core_axis_name="c", subcore_axis_name="s"),
        scratch_types=[
            pltpu.VMEM((_NCH, _CH), jnp.int32),
            pltpu.VMEM((_NCH, _CH), jnp.int32),
            pltpu.VMEM((_CH, _HP), jnp.float32),
            pltpu.VMEM_SHARED((_NP, width), jnp.float32),
            pltpu.SemaphoreType.DMA,
        ],
    )()


_sc_segsum_w = _make_sc_segsum(_HP, 2, True)


def _tc_gin1_body(x_ref, p_ref, wa_ref, ba_ref, wb_ref, bb_ref, o_ref):
    k = wa_ref.shape[0]
    t = p_ref[0, :, :k] + p_ref[1, :, :k] - x_ref[:, :k]
    h = jnp.dot(t, wa_ref[...], preferred_element_type=jnp.float32)
    h = jnp.maximum(h + ba_ref[...], 0.0)
    g = jnp.dot(h, wb_ref[...], preferred_element_type=jnp.float32)
    g = jnp.maximum(g + bb_ref[...], 0.0)
    o_ref[...] = jnp.concatenate([g, jnp.zeros_like(g)], axis=1)


def _tc_gin2_body(x_ref, p_ref, wa_ref, ba_ref, wb_ref, bb_ref, o_ref):
    k = wa_ref.shape[0]
    t = p_ref[0, :, :k] + p_ref[1, :, :k] - x_ref[:, :k]
    h = jnp.dot(t, wa_ref[...], preferred_element_type=jnp.float32)
    h = jnp.maximum(h + ba_ref[...], 0.0)
    g = jnp.dot(h, wb_ref[...], preferred_element_type=jnp.float32)
    g = jnp.maximum(g + bb_ref[...], 0.0)
    o_ref[...] = jnp.concatenate([g, jnp.zeros_like(g)], axis=1)


def _tc_fin_body(x_ref, p_ref, wa_ref, ba_ref, wb_ref, bb_ref, wl_ref, bl_ref,
                 o_ref):
    t = p_ref[0, :, :_H] + p_ref[1, :, :_H] - x_ref[:, :_H]
    h = jnp.dot(t, wa_ref[...], preferred_element_type=jnp.float32)
    h = jnp.maximum(h + ba_ref[...], 0.0)
    g = jnp.dot(h, wb_ref[...], preferred_element_type=jnp.float32)
    g = jnp.maximum(g + bb_ref[...], 0.0)
    o_ref[...] = jnp.dot(g, wl_ref[...],
                         preferred_element_type=jnp.float32) + bl_ref[...]


_tc_gin1 = pl.pallas_call(
    _tc_gin1_body, out_shape=jax.ShapeDtypeStruct((_NP, _HP), jnp.float32))
_tc_gin2 = pl.pallas_call(
    _tc_gin2_body, out_shape=jax.ShapeDtypeStruct((_NP, _HP), jnp.float32))
_tc_fin = pl.pallas_call(
    _tc_fin_body, out_shape=jax.ShapeDtypeStruct((_NP, _C), jnp.float32))


def kernel(features, edge_indicies, W1a, b1a, W1b, b1b, W2a, b2a, W2b, b2b,
           W3a, b3a, W3b, b3b, Wl, bl):
    src = edge_indicies[0]
    dst = edge_indicies[1]
    pad = _EPAD - _E
    src_p = jnp.concatenate(
        [src, jnp.zeros((pad,), jnp.int32)]).reshape(_NW, _NCH, _CH)
    trash = _N + (jnp.arange(pad, dtype=jnp.int32) % (_NP - _N))
    dst_p = jnp.concatenate([dst, trash]).reshape(_NW, _NCH, _CH)

    x0 = jnp.pad(features, ((0, _NP - _N), (0, 0)))
    p1 = _sc_segsum_w(x0, src_p, dst_p)
    x1 = _tc_gin1(x0, p1, W1a, b1a.reshape(1, _H), W1b, b1b.reshape(1, _H))
    p2 = _sc_segsum_w(x1, src_p, dst_p)
    x2 = _tc_gin2(x1, p2, W2a, b2a.reshape(1, _H), W2b, b2b.reshape(1, _H))
    p3 = _sc_segsum_w(x2, src_p, dst_p)
    out = _tc_fin(x2, p3, W3a, b3a.reshape(1, _H), W3b, b3b.reshape(1, _H),
                  Wl, bl.reshape(1, _C))
    return out[:_N]

# --- scband reference (transcript-rebuilt; emitter-appended) ---
"""Pipeline reference for scband-blackbox-synthetic-gin-77171972374915 (READ-ONLY COPY).

The authoritative reference and input builder live on the scoring server;
editing this copy changes nothing except your own understanding.
"""

import jax, jax.numpy as jnp
import numpy as np

N = 10000
E = 320000
D = 128
H = 64
C = 40


def _lin_init(key, fan_in, fan_out):
    k1, k2 = jax.random.split(key)
    s = 1.0 / np.sqrt(fan_in)
    W = jax.random.uniform(k1, (fan_in, fan_out), minval=-s, maxval=s, dtype=jnp.float32)
    b = jax.random.uniform(k2, (fan_out,), minval=-s, maxval=s, dtype=jnp.float32)
    return W, b


def setup_inputs(seed: int = 0) -> dict:
    key = jax.random.key(seed)
    ks = jax.random.split(key, 10)
    inp = {}
    inp['features'] = jax.random.normal(ks[0], (N, D), dtype=jnp.float32)
    inp['edge_indicies'] = jax.random.randint(ks[1], (2, E), 0, N, dtype=jnp.int32)
    inp['W1a'], inp['b1a'] = _lin_init(ks[2], D, H)
    inp['W1b'], inp['b1b'] = _lin_init(ks[3], H, H)
    inp['W2a'], inp['b2a'] = _lin_init(ks[4], H, H)
    inp['W2b'], inp['b2b'] = _lin_init(ks[5], H, H)
    inp['W3a'], inp['b3a'] = _lin_init(ks[6], H, H)
    inp['W3b'], inp['b3b'] = _lin_init(ks[7], H, H)
    inp['Wl'], inp['bl'] = _lin_init(ks[8], H, C)
    return inp


def _gin_layer(x, src, dst, Wa, ba, Wb, bb):
    # GINConv with eps=0: nn((1+eps)*x + sum_{j in N(i)} x_j)
    msgs = jnp.take(x, src, axis=0)
    agg = jax.ops.segment_sum(msgs, dst, num_segments=N)
    h = x + agg
    h = jnp.maximum(h @ Wa + ba, 0.0)
    h = h @ Wb + bb
    return h


def reference(features, edge_indicies, W1a, b1a, W1b, b1b, W2a, b2a, W2b, b2b, W3a, b3a, W3b, b3b, Wl, bl):
    src = edge_indicies[0]
    dst = edge_indicies[1]
    x = jnp.maximum(_gin_layer(features, src, dst, W1a, b1a, W1b, b1b), 0.0)
    x = jnp.maximum(_gin_layer(x, src, dst, W2a, b2a, W2b, b2b), 0.0)
    x = jnp.maximum(_gin_layer(x, src, dst, W3a, b3a, W3b, b3b), 0.0)
    return x @ Wl + bl

if __name__ == "__main__":
    import jax
    _d = setup_inputs()
    print(jax.jit(kernel)(*tuple(_d.values())))

</pallas_src>

<mosaic_0001>
#map = affine_map<(d0, d1) -> (0, 0)>
#map1 = affine_map<(d0, d1) -> (0, 0, 0)>
module attributes {stable_mosaic.version = 14 : i64} {
  func.func @body_fn(%arg0: i32, %arg1: i32, %arg2: memref<10240x128xf32, #tpu.memory_space<hbm>>, %arg3: memref<32x79x128xi32, #tpu.memory_space<hbm>>, %arg4: memref<32x79x128xi32, #tpu.memory_space<hbm>>, %arg5: memref<2x10240x128xf32, #tpu.memory_space<hbm>>, %arg6: memref<79x128xi32, #tpu.memory_space<vmem>>, %arg7: memref<79x128xi32, #tpu.memory_space<vmem>>, %arg8: memref<128x128xf32, #tpu.memory_space<vmem>>, %arg9: memref<10240x128xf32, #tpu.memory_space<vmem_shared>>, %arg10: memref<!tpu.dma_semaphore, #tpu.memory_space<semaphore_mem>>) attributes {dimension_semantics = [#tpu.dimension_semantics<core_parallel>, #tpu.dimension_semantics<subcore_parallel>], iteration_bounds = array<i64: 2, 16>, scalar_prefetch = 0 : i64, scratch_operands = 5 : i64, tpu.core_type = #tpu.core_type<sc_vector_subcore>, window_params = [{transform_indices = #map}, {transform_indices = #map1}, {transform_indices = #map1}, {transform_indices = #map1}]} {
    %mul3A = arith.constant 2 : i32
    %mul3A_0 = arith.muli %arg1, %mul3A : i32
    %add3A = arith.addi %mul3A_0, %arg0 : i32
    %mul3A_1 = arith.constant 640 : i32
    %mul3A_2 = arith.muli %arg1, %mul3A_1 : i32
    "tpu.region"() ({
      %run_scoped3A = tpu.sem_alloc : memref<!tpu.dma_semaphore, #tpu.memory_space<semaphore_mem>>
      %dma_start3A = arith.constant 0 : i32
      %dma_start3A_9 = tpu.memref_slice %arg9[%mul3A_2, %dma_start3A] : memref<10240x128xf32, #tpu.memory_space<vmem_shared>> -> memref<640x128xf32, #tpu.memory_space<vmem_shared>>
      %dma_start3A_10 = arith.constant 0 : i32
      %dma_start3A_11 = tpu.memref_slice %arg2[%mul3A_2, %dma_start3A_10] : memref<10240x128xf32, #tpu.memory_space<hbm>> -> memref<640x128xf32, #tpu.memory_space<hbm>>
      tpu.enqueue_dma source(%dma_start3A_11 : memref<640x128xf32, #tpu.memory_space<hbm>>) target(%dma_start3A_9 : memref<640x128xf32, #tpu.memory_space<vmem_shared>>) target_semaphore(%run_scoped3A : memref<!tpu.dma_semaphore, #tpu.memory_space<semaphore_mem>>)
      %dma_wait3A = arith.constant 0 : i32
      %dma_wait3A_12 = tpu.memref_slice %arg9[%mul3A_2, %dma_wait3A] : memref<10240x128xf32, #tpu.memory_space<vmem_shared>> -> memref<640x128xf32, #tpu.memory_space<vmem_shared>>
      %dma_wait3A_13 = arith.constant 0 : i32
      %dma_wait3A_14 = tpu.memref_slice %arg2[%mul3A_2, %dma_wait3A_13] : memref<10240x128xf32, #tpu.memory_space<hbm>> -> memref<640x128xf32, #tpu.memory_space<hbm>>
      tpu.wait_dma2 semaphore(%run_scoped3A : memref<!tpu.dma_semaphore, #tpu.memory_space<semaphore_mem>>) src(%dma_wait3A_14 : memref<640x128xf32, #tpu.memory_space<hbm>>) dst(%dma_wait3A_12 : memref<640x128xf32, #tpu.memory_space<vmem_shared>>)
      tpu.yield
    }) : () -> ()
    "tpu.region"() ({
      %run_scoped3A = tpu.sem_alloc : memref<!tpu.dma_semaphore, #tpu.memory_space<semaphore_mem>>
      %dma_start3A = arith.constant 0 : i32
      %dma_start3A_9 = arith.constant 0 : i32
      %dma_start3A_10 = tpu.memref_slice %arg3[%add3A, %dma_start3A, %dma_start3A_9] : memref<32x79x128xi32, #tpu.memory_space<hbm>> -> memref<1x79x128xi32, #tpu.memory_space<hbm>>
      %dma_start3A_11 = tpu.memref_squeeze %dma_start3A_10 : memref<1x79x128xi32, #tpu.memory_space<hbm>> -> memref<79x128xi32, #tpu.memory_space<hbm>>
      %dma_start3A_12 = arith.constant 0 : i32
      %dma_start3A_13 = arith.constant 0 : i32
      %dma_start3A_14 = tpu.memref_slice %arg3[%add3A, %dma_start3A_12, %dma_start3A_13] : memref<32x79x128xi32, #tpu.memory_space<hbm>> -> memref<1x79x128xi32, #tpu.memory_space<hbm>>
      %dma_start3A_15 = tpu.memref_squeeze %dma_start3A_14 : memref<1x79x128xi32, #tpu.memory_space<hbm>> -> memref<79x128xi32, #tpu.memory_space<hbm>>
      tpu.enqueue_dma source(%dma_start3A_15 : memref<79x128xi32, #tpu.memory_space<hbm>>) target(%arg6 : memref<79x128xi32, #tpu.memory_space<vmem>>) target_semaphore(%run_scoped3A : memref<!tpu.dma_semaphore, #tpu.memory_space<semaphore_mem>>)
      %dma_wait3A = arith.constant 0 : i32
      %dma_wait3A_16 = arith.constant 0 : i32
      %dma_wait3A_17 = tpu.memref_slice %arg3[%add3A, %dma_wait3A, %dma_wait3A_16] : memref<32x79x128xi32, #tpu.memory_space<hbm>> -> memref<1x79x128xi32, #tpu.memory_space<hbm>>
      %dma_wait3A_18 = tpu.memref_squeeze %dma_wait3A_17 : memref<1x79x128xi32, #tpu.memory_space<hbm>> -> memref<79x128xi32, #tpu.memory_space<hbm>>
      %dma_wait3A_19 = arith.constant 0 : i32
      %dma_wait3A_20 = arith.constant 0 : i32
      %dma_wait3A_21 = tpu.memref_slice %arg3[%add3A, %dma_wait3A_19, %dma_wait3A_20] : memref<32x79x128xi32, #tpu.memory_space<hbm>> -> memref<1x79x128xi32, #tpu.memory_space<hbm>>
      %dma_wait3A_22 = tpu.memref_squeeze %dma_wait3A_21 : memref<1x79x128xi32, #tpu.memory_space<hbm>> -> memref<79x128xi32, #tpu.memory_space<hbm>>
      tpu.wait_dma2 semaphore(%run_scoped3A : memref<!tpu.dma_semaphore, #tpu.memory_space<semaphore_mem>>) src(%dma_wait3A_22 : memref<79x128xi32, #tpu.memory_space<hbm>>) dst(%arg6 : memref<79x128xi32, #tpu.memory_space<vmem>>)
      tpu.yield
    }) : () -> ()
    "tpu.region"() ({
      %run_scoped3A = tpu.sem_alloc : memref<!tpu.dma_semaphore, #tpu.memory_space<semaphore_mem>>
      %dma_start3A = arith.constant 0 : i32
      %dma_start3A_9 = arith.constant 0 : i32
      %dma_start3A_10 = tpu.memref_slice %arg4[%add3A, %dma_start3A, %dma_start3A_9] : memref<32x79x128xi32, #tpu.memory_space<hbm>> -> memref<1x79x128xi32, #tpu.memory_space<hbm>>
      %dma_start3A_11 = tpu.memref_squeeze %dma_start3A_10 : memref<1x79x128xi32, #tpu.memory_space<hbm>> -> memref<79x128xi32, #tpu.memory_space<hbm>>
      %dma_start3A_12 = arith.constant 0 : i32
      %dma_start3A_13 = arith.constant 0 : i32
      %dma_start3A_14 = tpu.memref_slice %arg4[%add3A, %dma_start3A_12, %dma_start3A_13] : memref<32x79x128xi32, #tpu.memory_space<hbm>> -> memref<1x79x128xi32, #tpu.memory_space<hbm>>
      %dma_start3A_15 = tpu.memref_squeeze %dma_start3A_14 : memref<1x79x128xi32, #tpu.memory_space<hbm>> -> memref<79x128xi32, #tpu.memory_space<hbm>>
      tpu.enqueue_dma source(%dma_start3A_15 : memref<79x128xi32, #tpu.memory_space<hbm>>) target(%arg7 : memref<79x128xi32, #tpu.memory_space<vmem>>) target_semaphore(%run_scoped3A : memref<!tpu.dma_semaphore, #tpu.memory_space<semaphore_mem>>)
      %dma_wait3A = arith.constant 0 : i32
      %dma_wait3A_16 = arith.constant 0 : i32
      %dma_wait3A_17 = tpu.memref_slice %arg4[%add3A, %dma_wait3A, %dma_wait3A_16] : memref<32x79x128xi32, #tpu.memory_space<hbm>> -> memref<1x79x128xi32, #tpu.memory_space<hbm>>
      %dma_wait3A_18 = tpu.memref_squeeze %dma_wait3A_17 : memref<1x79x128xi32, #tpu.memory_space<hbm>> -> memref<79x128xi32, #tpu.memory_space<hbm>>
      %dma_wait3A_19 = arith.constant 0 : i32
      %dma_wait3A_20 = arith.constant 0 : i32
      %dma_wait3A_21 = tpu.memref_slice %arg4[%add3A, %dma_wait3A_19, %dma_wait3A_20] : memref<32x79x128xi32, #tpu.memory_space<hbm>> -> memref<1x79x128xi32, #tpu.memory_space<hbm>>
      %dma_wait3A_22 = tpu.memref_squeeze %dma_wait3A_21 : memref<1x79x128xi32, #tpu.memory_space<hbm>> -> memref<79x128xi32, #tpu.memory_space<hbm>>
      tpu.wait_dma2 semaphore(%run_scoped3A : memref<!tpu.dma_semaphore, #tpu.memory_space<semaphore_mem>>) src(%dma_wait3A_22 : memref<79x128xi32, #tpu.memory_space<hbm>>) dst(%arg7 : memref<79x128xi32, #tpu.memory_space<vmem>>)
      tpu.yield
    }) : () -> ()
    %barrier3A = arith.constant 0 : index
    tpu.barrier barrier_id(%barrier3A)
    %scan3A = arith.constant 0 : i32
    %scan3A_3 = arith.constant 0 : i32
    %scan3A_4 = arith.constant 79 : i32
    %scan3A_5 = arith.addi %scan3A_3, %scan3A_4 : i32
    %scan3A_6 = arith.constant 1 : i32
    scf.for %scan3A_9 = %scan3A_3 to %scan3A_5 step %scan3A_6  : i32 {
      %dma_start3A = arith.constant 0 : i32
      %dma_start3A_10 = tpu.memref_slice %arg6[%scan3A_9, %dma_start3A] : memref<79x128xi32, #tpu.memory_space<vmem>> -> memref<1x128xi32, #tpu.memory_space<vmem>>
      %dma_start3A_11 = tpu.memref_squeeze %dma_start3A_10 : memref<1x128xi32, #tpu.memory_space<vmem>> -> memref<128xi32, #tpu.memory_space<vmem>>
      %dma_start3A_12 = arith.constant 0 : i32
      %dma_start3A_13 = arith.constant 0 : i32
      %dma_start3A_14 = tpu.memref_slice %arg2[%dma_start3A_12, %dma_start3A_13] : memref<10240x128xf32, #tpu.memory_space<hbm>> -> memref<10240x128xf32, #tpu.memory_space<hbm>>
      tpu.enqueue_indirect_dma source(%dma_start3A_14 : memref<10240x128xf32, #tpu.memory_space<hbm>>) target(%arg8 : memref<128x128xf32, #tpu.memory_space<vmem>>) offsets(%dma_start3A_11 : memref<128xi32, #tpu.memory_space<vmem>>) semaphore(%arg10 : memref<!tpu.dma_semaphore, #tpu.memory_space<semaphore_mem>>)
      %dma_wait3A = arith.constant 0 : i32
      %dma_wait3A_15 = tpu.memref_slice %arg6[%scan3A_9, %dma_wait3A] : memref<79x128xi32, #tpu.memory_space<vmem>> -> memref<1x128xi32, #tpu.memory_space<vmem>>
      %dma_wait3A_16 = tpu.memref_squeeze %dma_wait3A_15 : memref<1x128xi32, #tpu.memory_space<vmem>> -> memref<128xi32, #tpu.memory_space<vmem>>
      %dma_wait3A_17 = arith.constant 0 : i32
      %dma_wait3A_18 = arith.constant 0 : i32
      %dma_wait3A_19 = tpu.memref_slice %arg2[%dma_wait3A_17, %dma_wait3A_18] : memref<10240x128xf32, #tpu.memory_space<hbm>> -> memref<10240x128xf32, #tpu.memory_space<hbm>>
      tpu.wait_indirect_dma semaphore(%arg10 : memref<!tpu.dma_semaphore, #tpu.memory_space<semaphore_mem>>) src(%dma_wait3A_19 : memref<10240x128xf32, #tpu.memory_space<hbm>>) dst(%arg8 : memref<128x128xf32, #tpu.memory_space<vmem>>)
      "tpu.region"() ({
        %run_scoped3A = tpu.sem_alloc : memref<!tpu.dma_semaphore, #tpu.memory_space<semaphore_mem>>
        %dma_start3A_20 = arith.constant 0 : i32
        %dma_start3A_21 = tpu.memref_slice %arg7[%scan3A_9, %dma_start3A_20] : memref<79x128xi32, #tpu.memory_space<vmem>> -> memref<1x128xi32, #tpu.memory_space<vmem>>
        %dma_start3A_22 = tpu.memref_squeeze %dma_start3A_21 : memref<1x128xi32, #tpu.memory_space<vmem>> -> memref<128xi32, #tpu.memory_space<vmem>>
        %dma_start3A_23 = arith.constant 0 : i32
        %dma_start3A_24 = arith.constant 0 : i32
        %dma_start3A_25 = tpu.memref_slice %arg9[%dma_start3A_23, %dma_start3A_24] : memref<10240x128xf32, #tpu.memory_space<vmem_shared>> -> memref<10240x128xf32, #tpu.memory_space<vmem_shared>>
        tpu.enqueue_indirect_dma source(%arg8 : memref<128x128xf32, #tpu.memory_space<vmem>>) target(%dma_start3A_25 : memref<10240x128xf32, #tpu.memory_space<vmem_shared>>) offsets(%dma_start3A_22 : memref<128xi32, #tpu.memory_space<vmem>>) semaphore(%run_scoped3A : memref<!tpu.dma_semaphore, #tpu.memory_space<semaphore_mem>>) {add = true}
        %dma_wait3A_26 = arith.constant 0 : i32
        %dma_wait3A_27 = tpu.memref_slice %arg7[%scan3A_9, %dma_wait3A_26] : memref<79x128xi32, #tpu.memory_space<vmem>> -> memref<1x128xi32, #tpu.memory_space<vmem>>
        %dma_wait3A_28 = tpu.memref_squeeze %dma_wait3A_27 : memref<1x128xi32, #tpu.memory_space<vmem>> -> memref<128xi32, #tpu.memory_space<vmem>>
        %dma_wait3A_29 = arith.constant 0 : i32
        %dma_wait3A_30 = arith.constant 0 : i32
        %dma_wait3A_31 = tpu.memref_slice %arg9[%dma_wait3A_29, %dma_wait3A_30] : memref<10240x128xf32, #tpu.memory_space<vmem_shared>> -> memref<10240x128xf32, #tpu.memory_space<vmem_shared>>
        tpu.wait_indirect_dma semaphore(%run_scoped3A : memref<!tpu.dma_semaphore, #tpu.memory_space<semaphore_mem>>) src(%arg8 : memref<128x128xf32, #tpu.memory_space<vmem>>) dst(%dma_wait3A_31 : memref<10240x128xf32, #tpu.memory_space<vmem_shared>>)
        tpu.yield
      }) : () -> ()
    }
    %scan3A_7 = arith.constant 79 : i32
    %barrier3A_8 = arith.constant 0 : index
    tpu.barrier barrier_id(%barrier3A_8)
    "tpu.region"() ({
      %run_scoped3A = tpu.sem_alloc : memref<!tpu.dma_semaphore, #tpu.memory_space<semaphore_mem>>
      %dma_start3A = arith.constant 0 : i32
      %dma_start3A_9 = tpu.memref_slice %arg5[%arg0, %mul3A_2, %dma_start3A] : memref<2x10240x128xf32, #tpu.memory_space<hbm>> -> memref<1x640x128xf32, #tpu.memory_space<hbm>>
      %dma_start3A_10 = tpu.memref_squeeze %dma_start3A_9 : memref<1x640x128xf32, #tpu.memory_space<hbm>> -> memref<640x128xf32, #tpu.memory_space<hbm>>
      %dma_start3A_11 = arith.constant 0 : i32
      %dma_start3A_12 = tpu.memref_slice %arg9[%mul3A_2, %dma_start3A_11] : memref<10240x128xf32, #tpu.memory_space<vmem_shared>> -> memref<640x128xf32, #tpu.memory_space<vmem_shared>>
      tpu.enqueue_dma source(%dma_start3A_12 : memref<640x128xf32, #tpu.memory_space<vmem_shared>>) target(%dma_start3A_10 : memref<640x128xf32, #tpu.memory_space<hbm>>) target_semaphore(%run_scoped3A : memref<!tpu.dma_semaphore, #tpu.memory_space<semaphore_mem>>)
      %dma_wait3A = arith.constant 0 : i32
      %dma_wait3A_13 = tpu.memref_slice %arg5[%arg0, %mul3A_2, %dma_wait3A] : memref<2x10240x128xf32, #tpu.memory_space<hbm>> -> memref<1x640x128xf32, #tpu.memory_space<hbm>>
      %dma_wait3A_14 = tpu.memref_squeeze %dma_wait3A_13 : memref<1x640x128xf32, #tpu.memory_space<hbm>> -> memref<640x128xf32, #tpu.memory_space<hbm>>
      %dma_wait3A_15 = arith.constant 0 : i32
      %dma_wait3A_16 = tpu.memref_slice %arg9[%mul3A_2, %dma_wait3A_15] : memref<10240x128xf32, #tpu.memory_space<vmem_shared>> -> memref<640x128xf32, #tpu.memory_space<vmem_shared>>
      tpu.wait_dma2 semaphore(%run_scoped3A : memref<!tpu.dma_semaphore, #tpu.memory_space<semaphore_mem>>) src(%dma_wait3A_16 : memref<640x128xf32, #tpu.memory_space<vmem_shared>>) dst(%dma_wait3A_14 : memref<640x128xf32, #tpu.memory_space<hbm>>)
      tpu.yield
    }) : () -> ()
    return
  }
}

#map = affine_map<(d0, d1) -> (0, 0)>
#map1 = affine_map<(d0, d1) -> (0, 0, 0)>
module attributes {stable_mosaic.version = 14 : i64} {
  func.func @body_fn(%arg0: i32, %arg1: i32, %arg2: memref<10240x128xf32, #tpu.memory_space<hbm>>, %arg3: memref<32x79x128xi32, #tpu.memory_space<hbm>>, %arg4: memref<32x79x128xi32, #tpu.memory_space<hbm>>, %arg5: memref<2x10240x128xf32, #tpu.memory_space<hbm>>, %arg6: memref<79x128xi32, #tpu.memory_space<vmem>>, %arg7: memref<79x128xi32, #tpu.memory_space<vmem>>, %arg8: memref<128x128xf32, #tpu.memory_space<vmem>>, %arg9: memref<10240x128xf32, #tpu.memory_space<vmem_shared>>, %arg10: memref<!tpu.dma_semaphore, #tpu.memory_space<semaphore_mem>>) attributes {dimension_semantics = [#tpu.dimension_semantics<core_parallel>, #tpu.dimension_semantics<subcore_parallel>], iteration_bounds = array<i64: 2, 16>, scalar_prefetch = 0 : i64, scratch_operands = 5 : i64, tpu.core_type = #tpu.core_type<sc_vector_subcore>, window_params = [{transform_indices = #map}, {transform_indices = #map1}, {transform_indices = #map1}, {transform_indices = #map1}]} {
    %mul3A = arith.constant 2 : i32
    %mul3A_0 = arith.muli %arg1, %mul3A : i32
    %add3A = arith.addi %mul3A_0, %arg0 : i32
    %mul3A_1 = arith.constant 640 : i32
    %mul3A_2 = arith.muli %arg1, %mul3A_1 : i32
    "tpu.region"() ({
      %run_scoped3A = tpu.sem_alloc : memref<!tpu.dma_semaphore, #tpu.memory_space<semaphore_mem>>
      %dma_start3A = arith.constant 0 : i32
      %dma_start3A_9 = tpu.memref_slice %arg9[%mul3A_2, %dma_start3A] : memref<10240x128xf32, #tpu.memory_space<vmem_shared>> -> memref<640x128xf32, #tpu.memory_space<vmem_shared>>
      %dma_start3A_10 = arith.constant 0 : i32
      %dma_start3A_11 = tpu.memref_slice %arg2[%mul3A_2, %dma_start3A_10] : memref<10240x128xf32, #tpu.memory_space<hbm>> -> memref<640x128xf32, #tpu.memory_space<hbm>>
      tpu.enqueue_dma source(%dma_start3A_11 : memref<640x128xf32, #tpu.memory_space<hbm>>) target(%dma_start3A_9 : memref<640x128xf32, #tpu.memory_space<vmem_shared>>) target_semaphore(%run_scoped3A : memref<!tpu.dma_semaphore, #tpu.memory_space<semaphore_mem>>)
      %dma_wait3A = arith.constant 0 : i32
      %dma_wait3A_12 = tpu.memref_slice %arg9[%mul3A_2, %dma_wait3A] : memref<10240x128xf32, #tpu.memory_space<vmem_shared>> -> memref<640x128xf32, #tpu.memory_space<vmem_shared>>
      %dma_wait3A_13 = arith.constant 0 : i32
      %dma_wait3A_14 = tpu.memref_slice %arg2[%mul3A_2, %dma_wait3A_13] : memref<10240x128xf32, #tpu.memory_space<hbm>> -> memref<640x128xf32, #tpu.memory_space<hbm>>
      tpu.wait_dma2 semaphore(%run_scoped3A : memref<!tpu.dma_semaphore, #tpu.memory_space<semaphore_mem>>) src(%dma_wait3A_14 : memref<640x128xf32, #tpu.memory_space<hbm>>) dst(%dma_wait3A_12 : memref<640x128xf32, #tpu.memory_space<vmem_shared>>)
      tpu.yield
    }) : () -> ()
    "tpu.region"() ({
      %run_scoped3A = tpu.sem_alloc : memref<!tpu.dma_semaphore, #tpu.memory_space<semaphore_mem>>
      %dma_start3A = arith.constant 0 : i32
      %dma_start3A_9 = arith.constant 0 : i32
      %dma_start3A_10 = tpu.memref_slice %arg3[%add3A, %dma_start3A, %dma_start3A_9] : memref<32x79x128xi32, #tpu.memory_space<hbm>> -> memref<1x79x128xi32, #tpu.memory_space<hbm>>
      %dma_start3A_11 = tpu.memref_squeeze %dma_start3A_10 : memref<1x79x128xi32, #tpu.memory_space<hbm>> -> memref<79x128xi32, #tpu.memory_space<hbm>>
      %dma_start3A_12 = arith.constant 0 : i32
      %dma_start3A_13 = arith.constant 0 : i32
      %dma_start3A_14 = tpu.memref_slice %arg3[%add3A, %dma_start3A_12, %dma_start3A_13] : memref<32x79x128xi32, #tpu.memory_space<hbm>> -> memref<1x79x128xi32, #tpu.memory_space<hbm>>
      %dma_start3A_15 = tpu.memref_squeeze %dma_start3A_14 : memref<1x79x128xi32, #tpu.memory_space<hbm>> -> memref<79x128xi32, #tpu.memory_space<hbm>>
      tpu.enqueue_dma source(%dma_start3A_15 : memref<79x128xi32, #tpu.memory_space<hbm>>) target(%arg6 : memref<79x128xi32, #tpu.memory_space<vmem>>) target_semaphore(%run_scoped3A : memref<!tpu.dma_semaphore, #tpu.memory_space<semaphore_mem>>)
      %dma_wait3A = arith.constant 0 : i32
      %dma_wait3A_16 = arith.constant 0 : i32
      %dma_wait3A_17 = tpu.memref_slice %arg3[%add3A, %dma_wait3A, %dma_wait3A_16] : memref<32x79x128xi32, #tpu.memory_space<hbm>> -> memref<1x79x128xi32, #tpu.memory_space<hbm>>
      %dma_wait3A_18 = tpu.memref_squeeze %dma_wait3A_17 : memref<1x79x128xi32, #tpu.memory_space<hbm>> -> memref<79x128xi32, #tpu.memory_space<hbm>>
      %dma_wait3A_19 = arith.constant 0 : i32
      %dma_wait3A_20 = arith.constant 0 : i32
      %dma_wait3A_21 = tpu.memref_slice %arg3[%add3A, %dma_wait3A_19, %dma_wait3A_20] : memref<32x79x128xi32, #tpu.memory_space<hbm>> -> memref<1x79x128xi32, #tpu.memory_space<hbm>>
      %dma_wait3A_22 = tpu.memref_squeeze %dma_wait3A_21 : memref<1x79x128xi32, #tpu.memory_space<hbm>> -> memref<79x128xi32, #tpu.memory_space<hbm>>
      tpu.wait_dma2 semaphore(%run_scoped3A : memref<!tpu.dma_semaphore, #tpu.memory_space<semaphore_mem>>) src(%dma_wait3A_22 : memref<79x128xi32, #tpu.memory_space<hbm>>) dst(%arg6 : memref<79x128xi32, #tpu.memory_space<vmem>>)
      tpu.yield
    }) : () -> ()
    "tpu.region"() ({
      %run_scoped3A = tpu.sem_alloc : memref<!tpu.dma_semaphore, #tpu.memory_space<semaphore_mem>>
      %dma_start3A = arith.constant 0 : i32
      %dma_start3A_9 = arith.constant 0 : i32
      %dma_start3A_10 = tpu.memref_slice %arg4[%add3A, %dma_start3A, %dma_start3A_9] : memref<32x79x128xi32, #tpu.memory_space<hbm>> -> memref<1x79x128xi32, #tpu.memory_space<hbm>>
      %dma_start3A_11 = tpu.memref_squeeze %dma_start3A_10 : memref<1x79x128xi32, #tpu.memory_space<hbm>> -> memref<79x128xi32, #tpu.memory_space<hbm>>
      %dma_start3A_12 = arith.constant 0 : i32
      %dma_start3A_13 = arith.constant 0 : i32
      %dma_start3A_14 = tpu.memref_slice %arg4[%add3A, %dma_start3A_12, %dma_start3A_13] : memref<32x79x128xi32, #tpu.memory_space<hbm>> -> memref<1x79x128xi32, #tpu.memory_space<hbm>>
      %dma_start3A_15 = tpu.memref_squeeze %dma_start3A_14 : memref<1x79x128xi32, #tpu.memory_space<hbm>> -> memref<79x128xi32, #tpu.memory_space<hbm>>
      tpu.enqueue_dma source(%dma_start3A_15 : memref<79x128xi32, #tpu.memory_space<hbm>>) target(%arg7 : memref<79x128xi32, #tpu.memory_space<vmem>>) target_semaphore(%run_scoped3A : memref<!tpu.dma_semaphore, #tpu.memory_space<semaphore_mem>>)
      %dma_wait3A = arith.constant 0 : i32
      %dma_wait3A_16 = arith.constant 0 : i32
      %dma_wait3A_17 = tpu.memref_slice %arg4[%add3A, %dma_wait3A, %dma_wait3A_16] : memref<32x79x128xi32, #tpu.memory_space<hbm>> -> memref<1x79x128xi32, #tpu.memory_space<hbm>>
      %dma_wait3A_18 = tpu.memref_squeeze %dma_wait3A_17 : memref<1x79x128xi32, #tpu.memory_space<hbm>> -> memref<79x128xi32, #tpu.memory_space<hbm>>
      %dma_wait3A_19 = arith.constant 0 : i32
      %dma_wait3A_20 = arith.constant 0 : i32
      %dma_wait3A_21 = tpu.memref_slice %arg4[%add3A, %dma_wait3A_19, %dma_wait3A_20] : memref<32x79x128xi32, #tpu.memory_space<hbm>> -> memref<1x79x128xi32, #tpu.memory_space<hbm>>
      %dma_wait3A_22 = tpu.memref_squeeze %dma_wait3A_21 : memref<1x79x128xi32, #tpu.memory_space<hbm>> -> memref<79x128xi32, #tpu.memory_space<hbm>>
      tpu.wait_dma2 semaphore(%run_scoped3A : memref<!tpu.dma_semaphore, #tpu.memory_space<semaphore_mem>>) src(%dma_wait3A_22 : memref<79x128xi32, #tpu.memory_space<hbm>>) dst(%arg7 : memref<79x128xi32, #tpu.memory_space<vmem>>)
      tpu.yield
    }) : () -> ()
    %barrier3A = arith.constant 0 : index
    tpu.barrier barrier_id(%barrier3A)
    %scan3A = arith.constant 0 : i32
    %scan3A_3 = arith.constant 0 : i32
    %scan3A_4 = arith.constant 79 : i32
    %scan3A_5 = arith.addi %scan3A_3, %scan3A_4 : i32
    %scan3A_6 = arith.constant 1 : i32
    scf.for %scan3A_9 = %scan3A_3 to %scan3A_5 step %scan3A_6  : i32 {
      %dma_start3A = arith.constant 0 : i32
      %dma_start3A_10 = tpu.memref_slice %arg6[%scan3A_9, %dma_start3A] : memref<79x128xi32, #tpu.memory_space<vmem>> -> memref<1x128xi32, #tpu.memory_space<vmem>>
      %dma_start3A_11 = tpu.memref_squeeze %dma_start3A_10 : memref<1x128xi32, #tpu.memory_space<vmem>> -> memref<128xi32, #tpu.memory_space<vmem>>
      %dma_start3A_12 = arith.constant 0 : i32
      %dma_start3A_13 = arith.constant 0 : i32
      %dma_start3A_14 = tpu.memref_slice %arg2[%dma_start3A_12, %dma_start3A_13] : memref<10240x128xf32, #tpu.memory_space<hbm>> -> memref<10240x128xf32, #tpu.memory_space<hbm>>
      tpu.enqueue_indirect_dma source(%dma_start3A_14 : memref<10240x128xf32, #tpu.memory_space<hbm>>) target(%arg8 : memref<128x128xf32, #tpu.memory_space<vmem>>) offsets(%dma_start3A_11 : memref<128xi32, #tpu.memory_space<vmem>>) semaphore(%arg10 : memref<!tpu.dma_semaphore, #tpu.memory_space<semaphore_mem>>)
      %dma_wait3A = arith.constant 0 : i32
      %dma_wait3A_15 = tpu.memref_slice %arg6[%scan3A_9, %dma_wait3A] : memref<79x128xi32, #tpu.memory_space<vmem>> -> memref<1x128xi32, #tpu.memory_space<vmem>>
      %dma_wait3A_16 = tpu.memref_squeeze %dma_wait3A_15 : memref<1x128xi32, #tpu.memory_space<vmem>> -> memref<128xi32, #tpu.memory_space<vmem>>
      %dma_wait3A_17 = arith.constant 0 : i32
      %dma_wait3A_18 = arith.constant 0 : i32
      %dma_wait3A_19 = tpu.memref_slice %arg2[%dma_wait3A_17, %dma_wait3A_18] : memref<10240x128xf32, #tpu.memory_space<hbm>> -> memref<10240x128xf32, #tpu.memory_space<hbm>>
      tpu.wait_indirect_dma semaphore(%arg10 : memref<!tpu.dma_semaphore, #tpu.memory_space<semaphore_mem>>) src(%dma_wait3A_19 : memref<10240x128xf32, #tpu.memory_space<hbm>>) dst(%arg8 : memref<128x128xf32, #tpu.memory_space<vmem>>)
      "tpu.region"() ({
        %run_scoped3A = tpu.sem_alloc : memref<!tpu.dma_semaphore, #tpu.memory_space<semaphore_mem>>
        %dma_start3A_20 = arith.constant 0 : i32
        %dma_start3A_21 = tpu.memref_slice %arg7[%scan3A_9, %dma_start3A_20] : memref<79x128xi32, #tpu.memory_space<vmem>> -> memref<1x128xi32, #tpu.memory_space<vmem>>
        %dma_start3A_22 = tpu.memref_squeeze %dma_start3A_21 : memref<1x128xi32, #tpu.memory_space<vmem>> -> memref<128xi32, #tpu.memory_space<vmem>>
        %dma_start3A_23 = arith.constant 0 : i32
        %dma_start3A_24 = arith.constant 0 : i32
        %dma_start3A_25 = tpu.memref_slice %arg9[%dma_start3A_23, %dma_start3A_24] : memref<10240x128xf32, #tpu.memory_space<vmem_shared>> -> memref<10240x128xf32, #tpu.memory_space<vmem_shared>>
        tpu.enqueue_indirect_dma source(%arg8 : memref<128x128xf32, #tpu.memory_space<vmem>>) target(%dma_start3A_25 : memref<10240x128xf32, #tpu.memory_space<vmem_shared>>) offsets(%dma_start3A_22 : memref<128xi32, #tpu.memory_space<vmem>>) semaphore(%run_scoped3A : memref<!tpu.dma_semaphore, #tpu.memory_space<semaphore_mem>>) {add = true}
        %dma_wait3A_26 = arith.constant 0 : i32
        %dma_wait3A_27 = tpu.memref_slice %arg7[%scan3A_9, %dma_wait3A_26] : memref<79x128xi32, #tpu.memory_space<vmem>> -> memref<1x128xi32, #tpu.memory_space<vmem>>
        %dma_wait3A_28 = tpu.memref_squeeze %dma_wait3A_27 : memref<1x128xi32, #tpu.memory_space<vmem>> -> memref<128xi32, #tpu.memory_space<vmem>>
        %dma_wait3A_29 = arith.constant 0 : i32
        %dma_wait3A_30 = arith.constant 0 : i32
        %dma_wait3A_31 = tpu.memref_slice %arg9[%dma_wait3A_29, %dma_wait3A_30] : memref<10240x128xf32, #tpu.memory_space<vmem_shared>> -> memref<10240x128xf32, #tpu.memory_space<vmem_shared>>
        tpu.wait_indirect_dma semaphore(%run_scoped3A : memref<!tpu.dma_semaphore, #tpu.memory_space<semaphore_mem>>) src(%arg8 : memref<128x128xf32, #tpu.memory_space<vmem>>) dst(%dma_wait3A_31 : memref<10240x128xf32, #tpu.memory_space<vmem_shared>>)
        tpu.yield
      }) : () -> ()
    }
    %scan3A_7 = arith.constant 79 : i32
    %barrier3A_8 = arith.constant 0 : index
    tpu.barrier barrier_id(%barrier3A_8)
    "tpu.region"() ({
      %run_scoped3A = tpu.sem_alloc : memref<!tpu.dma_semaphore, #tpu.memory_space<semaphore_mem>>
      %dma_start3A = arith.constant 0 : i32
      %dma_start3A_9 = tpu.memref_slice %arg5[%arg0, %mul3A_2, %dma_start3A] : memref<2x10240x128xf32, #tpu.memory_space<hbm>> -> memref<1x640x128xf32, #tpu.memory_space<hbm>>
      %dma_start3A_10 = tpu.memref_squeeze %dma_start3A_9 : memref<1x640x128xf32, #tpu.memory_space<hbm>> -> memref<640x128xf32, #tpu.memory_space<hbm>>
      %dma_start3A_11 = arith.constant 0 : i32
      %dma_start3A_12 = tpu.memref_slice %arg9[%mul3A_2, %dma_start3A_11] : memref<10240x128xf32, #tpu.memory_space<vmem_shared>> -> memref<640x128xf32, #tpu.memory_space<vmem_shared>>
      tpu.enqueue_dma source(%dma_start3A_12 : memref<640x128xf32, #tpu.memory_space<vmem_shared>>) target(%dma_start3A_10 : memref<640x128xf32, #tpu.memory_space<hbm>>) target_semaphore(%run_scoped3A : memref<!tpu.dma_semaphore, #tpu.memory_space<semaphore_mem>>)
      %dma_wait3A = arith.constant 0 : i32
      %dma_wait3A_13 = tpu.memref_slice %arg5[%arg0, %mul3A_2, %dma_wait3A] : memref<2x10240x128xf32, #tpu.memory_space<hbm>> -> memref<1x640x128xf32, #tpu.memory_space<hbm>>
      %dma_wait3A_14 = tpu.memref_squeeze %dma_wait3A_13 : memref<1x640x128xf32, #tpu.memory_space<hbm>> -> memref<640x128xf32, #tpu.memory_space<hbm>>
      %dma_wait3A_15 = arith.constant 0 : i32
      %dma_wait3A_16 = tpu.memref_slice %arg9[%mul3A_2, %dma_wait3A_15] : memref<10240x128xf32, #tpu.memory_space<vmem_shared>> -> memref<640x128xf32, #tpu.memory_space<vmem_shared>>
      tpu.wait_dma2 semaphore(%run_scoped3A : memref<!tpu.dma_semaphore, #tpu.memory_space<semaphore_mem>>) src(%dma_wait3A_16 : memref<640x128xf32, #tpu.memory_space<vmem_shared>>) dst(%dma_wait3A_14 : memref<640x128xf32, #tpu.memory_space<hbm>>)
      tpu.yield
    }) : () -> ()
    return
  }
}

#map = affine_map<(d0, d1) -> (0, 0)>
#map1 = affine_map<(d0, d1) -> (0, 0, 0)>
module attributes {stable_mosaic.version = 14 : i64} {
  func.func @body_fn(%arg0: i32, %arg1: i32, %arg2: memref<10240x128xf32, #tpu.memory_space<hbm>>, %arg3: memref<32x79x128xi32, #tpu.memory_space<hbm>>, %arg4: memref<32x79x128xi32, #tpu.memory_space<hbm>>, %arg5: memref<2x10240x128xf32, #tpu.memory_space<hbm>>, %arg6: memref<79x128xi32, #tpu.memory_space<vmem>>, %arg7: memref<79x128xi32, #tpu.memory_space<vmem>>, %arg8: memref<128x128xf32, #tpu.memory_space<vmem>>, %arg9: memref<10240x128xf32, #tpu.memory_space<vmem_shared>>, %arg10: memref<!tpu.dma_semaphore, #tpu.memory_space<semaphore_mem>>) attributes {dimension_semantics = [#tpu.dimension_semantics<core_parallel>, #tpu.dimension_semantics<subcore_parallel>], iteration_bounds = array<i64: 2, 16>, scalar_prefetch = 0 : i64, scratch_operands = 5 : i64, tpu.core_type = #tpu.core_type<sc_vector_subcore>, window_params = [{transform_indices = #map}, {transform_indices = #map1}, {transform_indices = #map1}, {transform_indices = #map1}]} {
    %mul3A = arith.constant 2 : i32
    %mul3A_0 = arith.muli %arg1, %mul3A : i32
    %add3A = arith.addi %mul3A_0, %arg0 : i32
    %mul3A_1 = arith.constant 640 : i32
    %mul3A_2 = arith.muli %arg1, %mul3A_1 : i32
    "tpu.region"() ({
      %run_scoped3A = tpu.sem_alloc : memref<!tpu.dma_semaphore, #tpu.memory_space<semaphore_mem>>
      %dma_start3A = arith.constant 0 : i32
      %dma_start3A_9 = tpu.memref_slice %arg9[%mul3A_2, %dma_start3A] : memref<10240x128xf32, #tpu.memory_space<vmem_shared>> -> memref<640x128xf32, #tpu.memory_space<vmem_shared>>
      %dma_start3A_10 = arith.constant 0 : i32
      %dma_start3A_11 = tpu.memref_slice %arg2[%mul3A_2, %dma_start3A_10] : memref<10240x128xf32, #tpu.memory_space<hbm>> -> memref<640x128xf32, #tpu.memory_space<hbm>>
      tpu.enqueue_dma source(%dma_start3A_11 : memref<640x128xf32, #tpu.memory_space<hbm>>) target(%dma_start3A_9 : memref<640x128xf32, #tpu.memory_space<vmem_shared>>) target_semaphore(%run_scoped3A : memref<!tpu.dma_semaphore, #tpu.memory_space<semaphore_mem>>)
      %dma_wait3A = arith.constant 0 : i32
      %dma_wait3A_12 = tpu.memref_slice %arg9[%mul3A_2, %dma_wait3A] : memref<10240x128xf32, #tpu.memory_space<vmem_shared>> -> memref<640x128xf32, #tpu.memory_space<vmem_shared>>
      %dma_wait3A_13 = arith.constant 0 : i32
      %dma_wait3A_14 = tpu.memref_slice %arg2[%mul3A_2, %dma_wait3A_13] : memref<10240x128xf32, #tpu.memory_space<hbm>> -> memref<640x128xf32, #tpu.memory_space<hbm>>
      tpu.wait_dma2 semaphore(%run_scoped3A : memref<!tpu.dma_semaphore, #tpu.memory_space<semaphore_mem>>) src(%dma_wait3A_14 : memref<640x128xf32, #tpu.memory_space<hbm>>) dst(%dma_wait3A_12 : memref<640x128xf32, #tpu.memory_space<vmem_shared>>)
      tpu.yield
    }) : () -> ()
    "tpu.region"() ({
      %run_scoped3A = tpu.sem_alloc : memref<!tpu.dma_semaphore, #tpu.memory_space<semaphore_mem>>
      %dma_start3A = arith.constant 0 : i32
      %dma_start3A_9 = arith.constant 0 : i32
      %dma_start3A_10 = tpu.memref_slice %arg3[%add3A, %dma_start3A, %dma_start3A_9] : memref<32x79x128xi32, #tpu.memory_space<hbm>> -> memref<1x79x128xi32, #tpu.memory_space<hbm>>
      %dma_start3A_11 = tpu.memref_squeeze %dma_start3A_10 : memref<1x79x128xi32, #tpu.memory_space<hbm>> -> memref<79x128xi32, #tpu.memory_space<hbm>>
      %dma_start3A_12 = arith.constant 0 : i32
      %dma_start3A_13 = arith.constant 0 : i32
      %dma_start3A_14 = tpu.memref_slice %arg3[%add3A, %dma_start3A_12, %dma_start3A_13] : memref<32x79x128xi32, #tpu.memory_space<hbm>> -> memref<1x79x128xi32, #tpu.memory_space<hbm>>
      %dma_start3A_15 = tpu.memref_squeeze %dma_start3A_14 : memref<1x79x128xi32, #tpu.memory_space<hbm>> -> memref<79x128xi32, #tpu.memory_space<hbm>>
      tpu.enqueue_dma source(%dma_start3A_15 : memref<79x128xi32, #tpu.memory_space<hbm>>) target(%arg6 : memref<79x128xi32, #tpu.memory_space<vmem>>) target_semaphore(%run_scoped3A : memref<!tpu.dma_semaphore, #tpu.memory_space<semaphore_mem>>)
      %dma_wait3A = arith.constant 0 : i32
      %dma_wait3A_16 = arith.constant 0 : i32
      %dma_wait3A_17 = tpu.memref_slice %arg3[%add3A, %dma_wait3A, %dma_wait3A_16] : memref<32x79x128xi32, #tpu.memory_space<hbm>> -> memref<1x79x128xi32, #tpu.memory_space<hbm>>
      %dma_wait3A_18 = tpu.memref_squeeze %dma_wait3A_17 : memref<1x79x128xi32, #tpu.memory_space<hbm>> -> memref<79x128xi32, #tpu.memory_space<hbm>>
      %dma_wait3A_19 = arith.constant 0 : i32
      %dma_wait3A_20 = arith.constant 0 : i32
      %dma_wait3A_21 = tpu.memref_slice %arg3[%add3A, %dma_wait3A_19, %dma_wait3A_20] : memref<32x79x128xi32, #tpu.memory_space<hbm>> -> memref<1x79x128xi32, #tpu.memory_space<hbm>>
      %dma_wait3A_22 = tpu.memref_squeeze %dma_wait3A_21 : memref<1x79x128xi32, #tpu.memory_space<hbm>> -> memref<79x128xi32, #tpu.memory_space<hbm>>
      tpu.wait_dma2 semaphore(%run_scoped3A : memref<!tpu.dma_semaphore, #tpu.memory_space<semaphore_mem>>) src(%dma_wait3A_22 : memref<79x128xi32, #tpu.memory_space<hbm>>) dst(%arg6 : memref<79x128xi32, #tpu.memory_space<vmem>>)
      tpu.yield
    }) : () -> ()
    "tpu.region"() ({
      %run_scoped3A = tpu.sem_alloc : memref<!tpu.dma_semaphore, #tpu.memory_space<semaphore_mem>>
      %dma_start3A = arith.constant 0 : i32
      %dma_start3A_9 = arith.constant 0 : i32
      %dma_start3A_10 = tpu.memref_slice %arg4[%add3A, %dma_start3A, %dma_start3A_9] : memref<32x79x128xi32, #tpu.memory_space<hbm>> -> memref<1x79x128xi32, #tpu.memory_space<hbm>>
      %dma_start3A_11 = tpu.memref_squeeze %dma_start3A_10 : memref<1x79x128xi32, #tpu.memory_space<hbm>> -> memref<79x128xi32, #tpu.memory_space<hbm>>
      %dma_start3A_12 = arith.constant 0 : i32
      %dma_start3A_13 = arith.constant 0 : i32
      %dma_start3A_14 = tpu.memref_slice %arg4[%add3A, %dma_start3A_12, %dma_start3A_13] : memref<32x79x128xi32, #tpu.memory_space<hbm>> -> memref<1x79x128xi32, #tpu.memory_space<hbm>>
      %dma_start3A_15 = tpu.memref_squeeze %dma_start3A_14 : memref<1x79x128xi32, #tpu.memory_space<hbm>> -> memref<79x128xi32, #tpu.memory_space<hbm>>
      tpu.enqueue_dma source(%dma_start3A_15 : memref<79x128xi32, #tpu.memory_space<hbm>>) target(%arg7 : memref<79x128xi32, #tpu.memory_space<vmem>>) target_semaphore(%run_scoped3A : memref<!tpu.dma_semaphore, #tpu.memory_space<semaphore_mem>>)
      %dma_wait3A = arith.constant 0 : i32
      %dma_wait3A_16 = arith.constant 0 : i32
      %dma_wait3A_17 = tpu.memref_slice %arg4[%add3A, %dma_wait3A, %dma_wait3A_16] : memref<32x79x128xi32, #tpu.memory_space<hbm>> -> memref<1x79x128xi32, #tpu.memory_space<hbm>>
      %dma_wait3A_18 = tpu.memref_squeeze %dma_wait3A_17 : memref<1x79x128xi32, #tpu.memory_space<hbm>> -> memref<79x128xi32, #tpu.memory_space<hbm>>
      %dma_wait3A_19 = arith.constant 0 : i32
      %dma_wait3A_20 = arith.constant 0 : i32
      %dma_wait3A_21 = tpu.memref_slice %arg4[%add3A, %dma_wait3A_19, %dma_wait3A_20] : memref<32x79x128xi32, #tpu.memory_space<hbm>> -> memref<1x79x128xi32, #tpu.memory_space<hbm>>
      %dma_wait3A_22 = tpu.memref_squeeze %dma_wait3A_21 : memref<1x79x128xi32, #tpu.memory_space<hbm>> -> memref<79x128xi32, #tpu.memory_space<hbm>>
      tpu.wait_dma2 semaphore(%run_scoped3A : memref<!tpu.dma_semaphore, #tpu.memory_space<semaphore_mem>>) src(%dma_wait3A_22 : memref<79x128xi32, #tpu.memory_space<hbm>>) dst(%arg7 : memref<79x128xi32, #tpu.memory_space<vmem>>)
      tpu.yield
    }) : () -> ()
    %barrier3A = arith.constant 0 : index
    tpu.barrier barrier_id(%barrier3A)
    %scan3A = arith.constant 0 : i32
    %scan3A_3 = arith.constant 0 : i32
    %scan3A_4 = arith.constant 79 : i32
    %scan3A_5 = arith.addi %scan3A_3, %scan3A_4 : i32
    %scan3A_6 = arith.constant 1 : i32
    scf.for %scan3A_9 = %scan3A_3 to %scan3A_5 step %scan3A_6  : i32 {
      %dma_start3A = arith.constant 0 : i32
      %dma_start3A_10 = tpu.memref_slice %arg6[%scan3A_9, %dma_start3A] : memref<79x128xi32, #tpu.memory_space<vmem>> -> memref<1x128xi32, #tpu.memory_space<vmem>>
      %dma_start3A_11 = tpu.memref_squeeze %dma_start3A_10 : memref<1x128xi32, #tpu.memory_space<vmem>> -> memref<128xi32, #tpu.memory_space<vmem>>
      %dma_start3A_12 = arith.constant 0 : i32
      %dma_start3A_13 = arith.constant 0 : i32
      %dma_start3A_14 = tpu.memref_slice %arg2[%dma_start3A_12, %dma_start3A_13] : memref<10240x128xf32, #tpu.memory_space<hbm>> -> memref<10240x128xf32, #tpu.memory_space<hbm>>
      tpu.enqueue_indirect_dma source(%dma_start3A_14 : memref<10240x128xf32, #tpu.memory_space<hbm>>) target(%arg8 : memref<128x128xf32, #tpu.memory_space<vmem>>) offsets(%dma_start3A_11 : memref<128xi32, #tpu.memory_space<vmem>>) semaphore(%arg10 : memref<!tpu.dma_semaphore, #tpu.memory_space<semaphore_mem>>)
      %dma_wait3A = arith.constant 0 : i32
      %dma_wait3A_15 = tpu.memref_slice %arg6[%scan3A_9, %dma_wait3A] : memref<79x128xi32, #tpu.memory_space<vmem>> -> memref<1x128xi32, #tpu.memory_space<vmem>>
      %dma_wait3A_16 = tpu.memref_squeeze %dma_wait3A_15 : memref<1x128xi32, #tpu.memory_space<vmem>> -> memref<128xi32, #tpu.memory_space<vmem>>
      %dma_wait3A_17 = arith.constant 0 : i32
      %dma_wait3A_18 = arith.constant 0 : i32
      %dma_wait3A_19 = tpu.memref_slice %arg2[%dma_wait3A_17, %dma_wait3A_18] : memref<10240x128xf32, #tpu.memory_space<hbm>> -> memref<10240x128xf32, #tpu.memory_space<hbm>>
      tpu.wait_indirect_dma semaphore(%arg10 : memref<!tpu.dma_semaphore, #tpu.memory_space<semaphore_mem>>) src(%dma_wait3A_19 : memref<10240x128xf32, #tpu.memory_space<hbm>>) dst(%arg8 : memref<128x128xf32, #tpu.memory_space<vmem>>)
      "tpu.region"() ({
        %run_scoped3A = tpu.sem_alloc : memref<!tpu.dma_semaphore, #tpu.memory_space<semaphore_mem>>
        %dma_start3A_20 = arith.constant 0 : i32
        %dma_start3A_21 = tpu.memref_slice %arg7[%scan3A_9, %dma_start3A_20] : memref<79x128xi32, #tpu.memory_space<vmem>> -> memref<1x128xi32, #tpu.memory_space<vmem>>
        %dma_start3A_22 = tpu.memref_squeeze %dma_start3A_21 : memref<1x128xi32, #tpu.memory_space<vmem>> -> memref<128xi32, #tpu.memory_space<vmem>>
        %dma_start3A_23 = arith.constant 0 : i32
        %dma_start3A_24 = arith.constant 0 : i32
        %dma_start3A_25 = tpu.memref_slice %arg9[%dma_start3A_23, %dma_start3A_24] : memref<10240x128xf32, #tpu.memory_space<vmem_shared>> -> memref<10240x128xf32, #tpu.memory_space<vmem_shared>>
        tpu.enqueue_indirect_dma source(%arg8 : memref<128x128xf32, #tpu.memory_space<vmem>>) target(%dma_start3A_25 : memref<10240x128xf32, #tpu.memory_space<vmem_shared>>) offsets(%dma_start3A_22 : memref<128xi32, #tpu.memory_space<vmem>>) semaphore(%run_scoped3A : memref<!tpu.dma_semaphore, #tpu.memory_space<semaphore_mem>>) {add = true}
        %dma_wait3A_26 = arith.constant 0 : i32
        %dma_wait3A_27 = tpu.memref_slice %arg7[%scan3A_9, %dma_wait3A_26] : memref<79x128xi32, #tpu.memory_space<vmem>> -> memref<1x128xi32, #tpu.memory_space<vmem>>
        %dma_wait3A_28 = tpu.memref_squeeze %dma_wait3A_27 : memref<1x128xi32, #tpu.memory_space<vmem>> -> memref<128xi32, #tpu.memory_space<vmem>>
        %dma_wait3A_29 = arith.constant 0 : i32
        %dma_wait3A_30 = arith.constant 0 : i32
        %dma_wait3A_31 = tpu.memref_slice %arg9[%dma_wait3A_29, %dma_wait3A_30] : memref<10240x128xf32, #tpu.memory_space<vmem_shared>> -> memref<10240x128xf32, #tpu.memory_space<vmem_shared>>
        tpu.wait_indirect_dma semaphore(%run_scoped3A : memref<!tpu.dma_semaphore, #tpu.memory_space<semaphore_mem>>) src(%arg8 : memref<128x128xf32, #tpu.memory_space<vmem>>) dst(%dma_wait3A_31 : memref<10240x128xf32, #tpu.memory_space<vmem_shared>>)
        tpu.yield
      }) : () -> ()
    }
    %scan3A_7 = arith.constant 79 : i32
    %barrier3A_8 = arith.constant 0 : index
    tpu.barrier barrier_id(%barrier3A_8)
    "tpu.region"() ({
      %run_scoped3A = tpu.sem_alloc : memref<!tpu.dma_semaphore, #tpu.memory_space<semaphore_mem>>
      %dma_start3A = arith.constant 0 : i32
      %dma_start3A_9 = tpu.memref_slice %arg5[%arg0, %mul3A_2, %dma_start3A] : memref<2x10240x128xf32, #tpu.memory_space<hbm>> -> memref<1x640x128xf32, #tpu.memory_space<hbm>>
      %dma_start3A_10 = tpu.memref_squeeze %dma_start3A_9 : memref<1x640x128xf32, #tpu.memory_space<hbm>> -> memref<640x128xf32, #tpu.memory_space<hbm>>
      %dma_start3A_11 = arith.constant 0 : i32
      %dma_start3A_12 = tpu.memref_slice %arg9[%mul3A_2, %dma_start3A_11] : memref<10240x128xf32, #tpu.memory_space<vmem_shared>> -> memref<640x128xf32, #tpu.memory_space<vmem_shared>>
      tpu.enqueue_dma source(%dma_start3A_12 : memref<640x128xf32, #tpu.memory_space<vmem_shared>>) target(%dma_start3A_10 : memref<640x128xf32, #tpu.memory_space<hbm>>) target_semaphore(%run_scoped3A : memref<!tpu.dma_semaphore, #tpu.memory_space<semaphore_mem>>)
      %dma_wait3A = arith.constant 0 : i32
      %dma_wait3A_13 = tpu.memref_slice %arg5[%arg0, %mul3A_2, %dma_wait3A] : memref<2x10240x128xf32, #tpu.memory_space<hbm>> -> memref<1x640x128xf32, #tpu.memory_space<hbm>>
      %dma_wait3A_14 = tpu.memref_squeeze %dma_wait3A_13 : memref<1x640x128xf32, #tpu.memory_space<hbm>> -> memref<640x128xf32, #tpu.memory_space<hbm>>
      %dma_wait3A_15 = arith.constant 0 : i32
      %dma_wait3A_16 = tpu.memref_slice %arg9[%mul3A_2, %dma_wait3A_15] : memref<10240x128xf32, #tpu.memory_space<vmem_shared>> -> memref<640x128xf32, #tpu.memory_space<vmem_shared>>
      tpu.wait_dma2 semaphore(%run_scoped3A : memref<!tpu.dma_semaphore, #tpu.memory_space<semaphore_mem>>) src(%dma_wait3A_16 : memref<640x128xf32, #tpu.memory_space<vmem_shared>>) dst(%dma_wait3A_14 : memref<640x128xf32, #tpu.memory_space<hbm>>)
      tpu.yield
    }) : () -> ()
    return
  }
}

module attributes {stable_mosaic.version = 14 : i64} {
  func.func @_tc_gin1_body(%arg0: memref<10240x128xf32, #tpu.memory_space<vmem>>, %arg1: memref<2x10240x128xf32, #tpu.memory_space<vmem>>, %arg2: memref<128x64xf32, #tpu.memory_space<vmem>>, %arg3: memref<1x64xf32, #tpu.memory_space<vmem>>, %arg4: memref<64x64xf32, #tpu.memory_space<vmem>>, %arg5: memref<1x64xf32, #tpu.memory_space<vmem>>, %arg6: memref<10240x128xf32, #tpu.memory_space<vmem>>) attributes {dimension_semantics = [], scalar_prefetch = 0 : i64, scratch_operands = 0 : i64, tpu.core_type = #tpu.core_type<tc>} {
    %get3A = arith.constant 0 : index
    %get3A_0 = arith.constant 0 : index
    %get3A_1 = arith.constant 0 : index
    %get3A_2 = vector.load %arg1[%get3A, %get3A_0, %get3A_1] : memref<2x10240x128xf32, #tpu.memory_space<vmem>>, vector<1x10240x128xf32>
    %get3A_3 = vector.shape_cast %get3A_2 : vector<1x10240x128xf32> to vector<10240x128xf32>
    %get3A_4 = arith.constant 1 : index
    %get3A_5 = arith.constant 0 : index
    %get3A_6 = arith.constant 0 : index
    %get3A_7 = vector.load %arg1[%get3A_4, %get3A_5, %get3A_6] : memref<2x10240x128xf32, #tpu.memory_space<vmem>>, vector<1x10240x128xf32>
    %get3A_8 = vector.shape_cast %get3A_7 : vector<1x10240x128xf32> to vector<10240x128xf32>
    %add3A = arith.addf %get3A_3, %get3A_8 : vector<10240x128xf32>
    %get3A_9 = arith.constant 0 : index
    %get3A_10 = arith.constant 0 : index
    %get3A_11 = vector.load %arg0[%get3A_9, %get3A_10] : memref<10240x128xf32, #tpu.memory_space<vmem>>, vector<10240x128xf32>
    %sub3A = arith.subf %add3A, %get3A_11 : vector<10240x128xf32>
    %get3A_12 = arith.constant 0 : index
    %get3A_13 = arith.constant 0 : index
    %get3A_14 = vector.load %arg2[%get3A_12, %get3A_13] : memref<128x64xf32, #tpu.memory_space<vmem>>, vector<128x64xf32>
    %dot_general3A = arith.constant dense<0.000000e+00> : vector<10240x64xf32>
    %dot_general3A_15 = tpu.matmul %sub3A, %get3A_14, %dot_general3A {dimension_numbers = #tpu.dot_dimension_numbers<[1], [0], [0], [1], [0, 0, 1, 1], [], []>, transpose_lhs_hint = false} : vector<10240x128xf32>, vector<128x64xf32>, vector<10240x64xf32> -> vector<10240x64xf32>
    %get3A_16 = arith.constant 0 : index
    %get3A_17 = arith.constant 0 : index
    %get3A_18 = vector.load %arg3[%get3A_16, %get3A_17] : memref<1x64xf32, #tpu.memory_space<vmem>>, vector<1x64xf32>
    %add3A_19 = vector.broadcast %get3A_18 : vector<1x64xf32> to vector<10240x64xf32>
    %add3A_20 = arith.addf %dot_general3A_15, %add3A_19 : vector<10240x64xf32>
    %max3A = arith.constant 0.000000e+00 : f32
    %max3A_21 = vector.broadcast %max3A : f32 to vector<10240x64xf32>
    %max3A_22 = arith.maximumf %add3A_20, %max3A_21 : vector<10240x64xf32>
    %get3A_23 = arith.constant 0 : index
    %get3A_24 = arith.constant 0 : index
    %get3A_25 = vector.load %arg4[%get3A_23, %get3A_24] : memref<64x64xf32, #tpu.memory_space<vmem>>, vector<64x64xf32>
    %dot_general3A_26 = arith.constant dense<0.000000e+00> : vector<10240x64xf32>
    %dot_general3A_27 = tpu.matmul %max3A_22, %get3A_25, %dot_general3A_26 {dimension_numbers = #tpu.dot_dimension_numbers<[1], [0], [0], [1], [0, 0, 1, 1], [], []>, transpose_lhs_hint = false} : vector<10240x64xf32>, vector<64x64xf32>, vector<10240x64xf32> -> vector<10240x64xf32>
    %get3A_28 = arith.constant 0 : index
    %get3A_29 = arith.constant 0 : index
    %get3A_30 = vector.load %arg5[%get3A_28, %get3A_29] : memref<1x64xf32, #tpu.memory_space<vmem>>, vector<1x64xf32>
    %add3A_31 = vector.broadcast %get3A_30 : vector<1x64xf32> to vector<10240x64xf32>
    %add3A_32 = arith.addf %dot_general3A_27, %add3A_31 : vector<10240x64xf32>
    %max3A_33 = arith.constant 0.000000e+00 : f32
    %max3A_34 = vector.broadcast %max3A_33 : f32 to vector<10240x64xf32>
    %max3A_35 = arith.maximumf %add3A_32, %max3A_34 : vector<10240x64xf32>
    %broadcast_in_dim3A = arith.constant 0.000000e+00 : f32
    %broadcast_in_dim3A_36 = vector.broadcast %broadcast_in_dim3A : f32 to vector<10240x64xf32>
    %concatenate3A = tpu.concatenate %max3A_35, %broadcast_in_dim3A_36 in 1 : vector<10240x64xf32>, vector<10240x64xf32> -> vector<10240x128xf32>
    %swap3A = arith.constant 0 : index
    %swap3A_37 = arith.constant 0 : index
    %swap3A_38 = vector.load %arg6[%swap3A, %swap3A_37] : memref<10240x128xf32, #tpu.memory_space<vmem>>, vector<10240x128xf32>
    tpu.vector_store %arg6[%swap3A, %swap3A_37], %concatenate3A {strides = array<i32>} : memref<10240x128xf32, #tpu.memory_space<vmem>>, vector<10240x128xf32>,
    return
  }
}

module attributes {stable_mosaic.version = 14 : i64} {
  func.func @_tc_gin2_body(%arg0: memref<10240x128xf32, #tpu.memory_space<vmem>>, %arg1: memref<2x10240x128xf32, #tpu.memory_space<vmem>>, %arg2: memref<64x64xf32, #tpu.memory_space<vmem>>, %arg3: memref<1x64xf32, #tpu.memory_space<vmem>>, %arg4: memref<64x64xf32, #tpu.memory_space<vmem>>, %arg5: memref<1x64xf32, #tpu.memory_space<vmem>>, %arg6: memref<10240x128xf32, #tpu.memory_space<vmem>>) attributes {dimension_semantics = [], scalar_prefetch = 0 : i64, scratch_operands = 0 : i64, tpu.core_type = #tpu.core_type<tc>} {
    %get3A = arith.constant 0 : index
    %get3A_0 = arith.constant 0 : index
    %get3A_1 = arith.constant 0 : index
    %get3A_2 = vector.load %arg1[%get3A, %get3A_0, %get3A_1] : memref<2x10240x128xf32, #tpu.memory_space<vmem>>, vector<1x10240x64xf32>
    %get3A_3 = vector.shape_cast %get3A_2 : vector<1x10240x64xf32> to vector<10240x64xf32>
    %get3A_4 = arith.constant 1 : index
    %get3A_5 = arith.constant 0 : index
    %get3A_6 = arith.constant 0 : index
    %get3A_7 = vector.load %arg1[%get3A_4, %get3A_5, %get3A_6] : memref<2x10240x128xf32, #tpu.memory_space<vmem>>, vector<1x10240x64xf32>
    %get3A_8 = vector.shape_cast %get3A_7 : vector<1x10240x64xf32> to vector<10240x64xf32>
    %add3A = arith.addf %get3A_3, %get3A_8 : vector<10240x64xf32>
    %get3A_9 = arith.constant 0 : index
    %get3A_10 = arith.constant 0 : index
    %get3A_11 = vector.load %arg0[%get3A_9, %get3A_10] : memref<10240x128xf32, #tpu.memory_space<vmem>>, vector<10240x64xf32>
    %sub3A = arith.subf %add3A, %get3A_11 : vector<10240x64xf32>
    %get3A_12 = arith.constant 0 : index
    %get3A_13 = arith.constant 0 : index
    %get3A_14 = vector.load %arg2[%get3A_12, %get3A_13] : memref<64x64xf32, #tpu.memory_space<vmem>>, vector<64x64xf32>
    %dot_general3A = arith.constant dense<0.000000e+00> : vector<10240x64xf32>
    %dot_general3A_15 = tpu.matmul %sub3A, %get3A_14, %dot_general3A {dimension_numbers = #tpu.dot_dimension_numbers<[1], [0], [0], [1], [0, 0, 1, 1], [], []>, transpose_lhs_hint = false} : vector<10240x64xf32>, vector<64x64xf32>, vector<10240x64xf32> -> vector<10240x64xf32>
    %get3A_16 = arith.constant 0 : index
    %get3A_17 = arith.constant 0 : index
    %get3A_18 = vector.load %arg3[%get3A_16, %get3A_17] : memref<1x64xf32, #tpu.memory_space<vmem>>, vector<1x64xf32>
    %add3A_19 = vector.broadcast %get3A_18 : vector<1x64xf32> to vector<10240x64xf32>
    %add3A_20 = arith.addf %dot_general3A_15, %add3A_19 : vector<10240x64xf32>
    %max3A = arith.constant 0.000000e+00 : f32
    %max3A_21 = vector.broadcast %max3A : f32 to vector<10240x64xf32>
    %max3A_22 = arith.maximumf %add3A_20, %max3A_21 : vector<10240x64xf32>
    %get3A_23 = arith.constant 0 : index
    %get3A_24 = arith.constant 0 : index
    %get3A_25 = vector.load %arg4[%get3A_23, %get3A_24] : memref<64x64xf32, #tpu.memory_space<vmem>>, vector<64x64xf32>
    %dot_general3A_26 = arith.constant dense<0.000000e+00> : vector<10240x64xf32>
    %dot_general3A_27 = tpu.matmul %max3A_22, %get3A_25, %dot_general3A_26 {dimension_numbers = #tpu.dot_dimension_numbers<[1], [0], [0], [1], [0, 0, 1, 1], [], []>, transpose_lhs_hint = false} : vector<10240x64xf32>, vector<64x64xf32>, vector<10240x64xf32> -> vector<10240x64xf32>
    %get3A_28 = arith.constant 0 : index
    %get3A_29 = arith.constant 0 : index
    %get3A_30 = vector.load %arg5[%get3A_28, %get3A_29] : memref<1x64xf32, #tpu.memory_space<vmem>>, vector<1x64xf32>
    %add3A_31 = vector.broadcast %get3A_30 : vector<1x64xf32> to vector<10240x64xf32>
    %add3A_32 = arith.addf %dot_general3A_27, %add3A_31 : vector<10240x64xf32>
    %max3A_33 = arith.constant 0.000000e+00 : f32
    %max3A_34 = vector.broadcast %max3A_33 : f32 to vector<10240x64xf32>
    %max3A_35 = arith.maximumf %add3A_32, %max3A_34 : vector<10240x64xf32>
    %broadcast_in_dim3A = arith.constant 0.000000e+00 : f32
    %broadcast_in_dim3A_36 = vector.broadcast %broadcast_in_dim3A : f32 to vector<10240x64xf32>
    %concatenate3A = tpu.concatenate %max3A_35, %broadcast_in_dim3A_36 in 1 : vector<10240x64xf32>, vector<10240x64xf32> -> vector<10240x128xf32>
    %swap3A = arith.constant 0 : index
    %swap3A_37 = arith.constant 0 : index
    %swap3A_38 = vector.load %arg6[%swap3A, %swap3A_37] : memref<10240x128xf32, #tpu.memory_space<vmem>>, vector<10240x128xf32>
    tpu.vector_store %arg6[%swap3A, %swap3A_37], %concatenate3A {strides = array<i32>} : memref<10240x128xf32, #tpu.memory_space<vmem>>, vector<10240x128xf32>,
    return
  }
}

module attributes {stable_mosaic.version = 14 : i64} {
  func.func @_tc_fin_body(%arg0: memref<10240x128xf32, #tpu.memory_space<vmem>>, %arg1: memref<2x10240x128xf32, #tpu.memory_space<vmem>>, %arg2: memref<64x64xf32, #tpu.memory_space<vmem>>, %arg3: memref<1x64xf32, #tpu.memory_space<vmem>>, %arg4: memref<64x64xf32, #tpu.memory_space<vmem>>, %arg5: memref<1x64xf32, #tpu.memory_space<vmem>>, %arg6: memref<64x40xf32, #tpu.memory_space<vmem>>, %arg7: memref<1x40xf32, #tpu.memory_space<vmem>>, %arg8: memref<10240x40xf32, #tpu.memory_space<vmem>>) attributes {dimension_semantics = [], scalar_prefetch = 0 : i64, scratch_operands = 0 : i64, tpu.core_type = #tpu.core_type<tc>} {
    %get3A = arith.constant 0 : index
    %get3A_0 = arith.constant 0 : index
    %get3A_1 = arith.constant 0 : index
    %get3A_2 = vector.load %arg1[%get3A, %get3A_0, %get3A_1] : memref<2x10240x128xf32, #tpu.memory_space<vmem>>, vector<1x10240x64xf32>
    %get3A_3 = vector.shape_cast %get3A_2 : vector<1x10240x64xf32> to vector<10240x64xf32>
    %get3A_4 = arith.constant 1 : index
    %get3A_5 = arith.constant 0 : index
    %get3A_6 = arith.constant 0 : index
    %get3A_7 = vector.load %arg1[%get3A_4, %get3A_5, %get3A_6] : memref<2x10240x128xf32, #tpu.memory_space<vmem>>, vector<1x10240x64xf32>
    %get3A_8 = vector.shape_cast %get3A_7 : vector<1x10240x64xf32> to vector<10240x64xf32>
    %add3A = arith.addf %get3A_3, %get3A_8 : vector<10240x64xf32>
    %get3A_9 = arith.constant 0 : index
    %get3A_10 = arith.constant 0 : index
    %get3A_11 = vector.load %arg0[%get3A_9, %get3A_10] : memref<10240x128xf32, #tpu.memory_space<vmem>>, vector<10240x64xf32>
    %sub3A = arith.subf %add3A, %get3A_11 : vector<10240x64xf32>
    %get3A_12 = arith.constant 0 : index
    %get3A_13 = arith.constant 0 : index
    %get3A_14 = vector.load %arg2[%get3A_12, %get3A_13] : memref<64x64xf32, #tpu.memory_space<vmem>>, vector<64x64xf32>
    %dot_general3A = arith.constant dense<0.000000e+00> : vector<10240x64xf32>
    %dot_general3A_15 = tpu.matmul %sub3A, %get3A_14, %dot_general3A {dimension_numbers = #tpu.dot_dimension_numbers<[1], [0], [0], [1], [0, 0, 1, 1], [], []>, transpose_lhs_hint = false} : vector<10240x64xf32>, vector<64x64xf32>, vector<10240x64xf32> -> vector<10240x64xf32>
    %get3A_16 = arith.constant 0 : index
    %get3A_17 = arith.constant 0 : index
    %get3A_18 = vector.load %arg3[%get3A_16, %get3A_17] : memref<1x64xf32, #tpu.memory_space<vmem>>, vector<1x64xf32>
    %add3A_19 = vector.broadcast %get3A_18 : vector<1x64xf32> to vector<10240x64xf32>
    %add3A_20 = arith.addf %dot_general3A_15, %add3A_19 : vector<10240x64xf32>
    %max3A = arith.constant 0.000000e+00 : f32
    %max3A_21 = vector.broadcast %max3A : f32 to vector<10240x64xf32>
    %max3A_22 = arith.maximumf %add3A_20, %max3A_21 : vector<10240x64xf32>
    %get3A_23 = arith.constant 0 : index
    %get3A_24 = arith.constant 0 : index
    %get3A_25 = vector.load %arg4[%get3A_23, %get3A_24] : memref<64x64xf32, #tpu.memory_space<vmem>>, vector<64x64xf32>
    %dot_general3A_26 = arith.constant dense<0.000000e+00> : vector<10240x64xf32>
    %dot_general3A_27 = tpu.matmul %max3A_22, %get3A_25, %dot_general3A_26 {dimension_numbers = #tpu.dot_dimension_numbers<[1], [0], [0], [1], [0, 0, 1, 1], [], []>, transpose_lhs_hint = false} : vector<10240x64xf32>, vector<64x64xf32>, vector<10240x64xf32> -> vector<10240x64xf32>
    %get3A_28 = arith.constant 0 : index
    %get3A_29 = arith.constant 0 : index
    %get3A_30 = vector.load %arg5[%get3A_28, %get3A_29] : memref<1x64xf32, #tpu.memory_space<vmem>>, vector<1x64xf32>
    %add3A_31 = vector.broadcast %get3A_30 : vector<1x64xf32> to vector<10240x64xf32>
    %add3A_32 = arith.addf %dot_general3A_27, %add3A_31 : vector<10240x64xf32>
    %max3A_33 = arith.constant 0.000000e+00 : f32
    %max3A_34 = vector.broadcast %max3A_33 : f32 to vector<10240x64xf32>
    %max3A_35 = arith.maximumf %add3A_32, %max3A_34 : vector<10240x64xf32>
    %get3A_36 = arith.constant 0 : index
    %get3A_37 = arith.constant 0 : index
    %get3A_38 = vector.load %arg6[%get3A_36, %get3A_37] : memref<64x40xf32, #tpu.memory_space<vmem>>, vector<64x40xf32>
    %dot_general3A_39 = arith.constant dense<0.000000e+00> : vector<10240x40xf32>
    %dot_general3A_40 = tpu.matmul %max3A_35, %get3A_38, %dot_general3A_39 {dimension_numbers = #tpu.dot_dimension_numbers<[1], [0], [0], [1], [0, 0, 1, 1], [], []>, transpose_lhs_hint = false} : vector<10240x64xf32>, vector<64x40xf32>, vector<10240x40xf32> -> vector<10240x40xf32>
    %get3A_41 = arith.constant 0 : index
    %get3A_42 = arith.constant 0 : index
    %get3A_43 = vector.load %arg7[%get3A_41, %get3A_42] : memref<1x40xf32, #tpu.memory_space<vmem>>, vector<1x40xf32>
    %add3A_44 = vector.broadcast %get3A_43 : vector<1x40xf32> to vector<10240x40xf32>
    %add3A_45 = arith.addf %dot_general3A_40, %add3A_44 : vector<10240x40xf32>
    %swap3A = arith.constant 0 : index
    %swap3A_46 = arith.constant 0 : index
    %swap3A_47 = vector.load %arg8[%swap3A, %swap3A_46] : memref<10240x40xf32, #tpu.memory_space<vmem>>, vector<10240x40xf32>
    tpu.vector_store %arg8[%swap3A, %swap3A_46], %add3A_45 {strides = array<i32>} : memref<10240x40xf32, #tpu.memory_space<vmem>>, vector<10240x40xf32>,
    return
  }
}

</mosaic_0001>

<sc_bundles>
// kernel: kernel.11.cloned.1.call-start
scs
__scs_entry_jumppad:
0x0: {  	(pc) =	sbr.rel $0x88, $3  }
0x1: {  	(tag) =	ssettag $0x0;
	lr =	simm.s32 $0x1  }
0x2: {  	[smem:$0x3F91] =	sst lr;
	_ =	strace $0xD0000000  }
0x3: {  	_ = 	snop  }
0x4: {  	_ = 	snop  }
0x5: {  	_ = 	snop  }
0x6: {  	_ = 	snop  }
0x7: {  	_ = 	snop  }
__scs_overlays_trampoline_lowered:
0x8: {  	[smem:$0x3FA0] =	sst s0  }
0x9: {  	[smem:$0x3FA1] =	sst s1  }
0xa: {  	[smem:$0x3FA2] =	sst s2  }
0xb: {  	[smem:$0x3FA3] =	sst s3  }
0xc: {  	[smem:$0x3FA4] =	sst s4  }
0xd: {  	[smem:$0x3FA5] =	sst s5  }
0xe: {  	[smem:$0x3FA6] =	sst s6  }
0xf: {  	[smem:$0x3FA7] =	sst s7  }
0x10: {  	[smem:$0x3FA8] =	sst s8  }
0x11: {  	[smem:$0x3FA9] =	sst s9;
	s0 =	simm.s32 @!p0 $0x0  }
0x12: {  	s1 =	sld [smem:$0x3F8F];
	s0 =	simm.s32 @p0 $0x1  }
0x13: {  	[smem:$0x3FAA] =	sst s0;
	s0 =	simm.s32 @!p1 $0x0  }
0x14: {  	s2 =	sld [smem:$0x3F8E];
	s0 =	simm.s32 @p1 $0x1  }
0x15: {  	[smem:$0x3FAB] =	sst s0;
	s0 =	simm.s32 @!p2 $0x0  }
0x16: {  	s3 =	sld [smem:$0x3FDB];
	s0 =	simm.s32 @p2 $0x1  }
0x17: {  	s4 =	simm.s32 $0x1BF5;
	[smem:$0x3FAD] =	sst s0  }
0x18: {  	s0 =	sld [smem:$0x3F90];
	_ =	swait.ge [sflag:s4], $0x0  }
0x19: {  	s7 =	sld [smem:$0x3F91]  }
0x1a: {  	s8 =	sadd.s32 $0xFFFFE003, lr  }
0x1b: {  	s9 =	sadd.s32 $0xFFFFFEF7, lr;
	s5 =	simm.s32 $0xFFFFFFFF;
	p2 =	slt.u32 s8, $0xFFFFF086  }
0x1c: {  	p1 =	slt.u32 s9, $0xF7A;
	s5 =	simm.s32 @!p2 $0x0  }
0x1d: {  	s5 =	simm.s32 @p1 $0x1;
	p0 =	seq.s32 s7, s2  }
0x1e: {  	s7 =	smul.u32 @!p0 $0xF7A, s2;
	p2 =	seq.s32 @!p0 s5, $0x0  }
0x1f: {  	s9 =	smul.u32 $0xF7A, s1;
	s8 =	simm.s32 @!p0 $0x1BF5;
	p2 =	por !p2, p0  }
0x20: {  	[sflag:s8] =	ssyncset.s32 @!p0 $0xFFFFF086;
	s6 =	sadd.s32 @!p0 s3, s7;
	s7 =	simm.s32 @!p0 $0x108  }
0x21: {  	s3 =	sadd.s32 s3, s9;
	s6 =	sadd.s32 @!p0 $0x88, s6;
	s7 =	simm.s32 @p2 $0x1082  }
0x22: {  	[simem:s7], [sflag:s8] =	dma.local @!p0 [hbm:s6], $0xF7A  }
0x23: {  	s9 =	sor.u32 $0xD0000000, s2;
	s6 =	simm.s32 $0x108;
	_ =	swait.ge @!p0 [sflag:s8], $0x0  }
0x24: {  	s3 =	sadd.s32 $0x88, s3;
	s6 =	simm.s32 @!p1 $0x1082;
	[sflag:s4] =	ssyncset.s32 $0xFFFFF086  }
0x25: {  	[simem:s6], [sflag:s4] =	dma.local [hbm:s3], $0xF7A  }
0x26: {  	[smem:$0x3F91] =	sst s1;
	(tag) =	ssettag s2;
	_ =	strace s9  }
0x27: {  	s1 =	sld [smem:$0x3FA1]  }
0x28: {  	s2 =	sld [smem:$0x3FA2]  }
0x29: {  	s4 =	sld [smem:$0x3FA4]  }
0x2a: {  	p0 =	seq.s32 s5, $0x0;
	s5 =	sld [smem:$0x3FA5]  }
0x2b: {  	s6 =	sld [smem:$0x3FA6]  }
0x2c: {  	s7 =	sld [smem:$0x3FA7]  }
0x2d: {  	s3 =	simm.s32 $0x108;
	s8 =	sld [smem:$0x3FA8]  }
0x2e: {  	s3 =	simm.s32 @!p0 $0x1082;
	s9 =	sld [smem:$0x3FA9]  }
0x2f: {  	lr =	sadd.s32 s0, s3;
	s0 =	sld [smem:$0x3FA0]  }
0x30: {  	s3 =	sld [smem:$0x3FA3]  }
0x31: {  	[smem:$0x3FAC] =	sst s10  }
0x32: {  	s10 =	sld [smem:$0x3FAA];
	_ =	sdelay $0x3  }
0x33: {  	p0 =	seq.s32 s10, $0x1;
	s10 =	sld [smem:$0x3FAC];
	_ =	sdelay $0x3  }
0x34: {  	[smem:$0x3FAC] =	sst s10  }
0x35: {  	s10 =	sld [smem:$0x3FAB];
	_ =	sdelay $0x3  }
0x36: {  	p1 =	seq.s32 s10, $0x1;
	s10 =	sld [smem:$0x3FAC];
	_ =	sdelay $0x3  }
0x37: {  	[smem:$0x3FAC] =	sst s10  }
0x38: {  	s10 =	sld [smem:$0x3FAD]  }
0x39: {  	_ = 	snop;
	(pc) =	sbr.ind lr, $3  }
0x3a: {  	_ = 	snop  }
0x3b: {  	_ = 	snop  }
0x3c: {  	p2 =	seq.s32 s10, $0x1;
	s10 =	sld [smem:$0x3FAC]  }
0x3d: {  	_ =	shalt  }
0x3e: {  	_ =	shalt  }
0x3f: {  	_ =	shalt  }
0x40: {  	_ =	shalt  }
0x41: {  	_ =	shalt  }
0x42: {  	_ =	shalt  }
0x43: {  	_ =	shalt  }
0x44: {  	_ =	shalt  }
0x45: {  	_ =	shalt  }
0x46: {  	_ =	shalt  }
0x47: {  	_ =	shalt  }
0x48: {  	_ =	shalt  }
0x49: {  	_ =	shalt  }
0x4a: {  	_ =	shalt  }
0x4b: {  	_ =	shalt  }
0x4c: {  	_ =	shalt  }
0x4d: {  	_ =	shalt  }
0x4e: {  	_ =	shalt  }
0x4f: {  	_ =	shalt  }
0x50: {  	_ =	shalt  }
0x51: {  	_ =	shalt  }
0x52: {  	_ =	shalt  }
0x53: {  	_ =	shalt  }
0x54: {  	_ =	shalt  }
0x55: {  	_ =	shalt  }
0x56: {  	_ =	shalt  }
0x57: {  	_ =	shalt  }
0x58: {  	_ =	shalt  }
0x59: {  	_ =	shalt  }
0x5a: {  	_ =	shalt  }
0x5b: {  	_ =	shalt  }
0x5c: {  	_ =	shalt  }
0x5d: {  	_ =	shalt  }
0x5e: {  	_ =	shalt  }
0x5f: {  	_ =	shalt  }
0x60: {  	_ =	shalt  }
0x61: {  	_ =	shalt  }
0x62: {  	_ =	shalt  }
0x63: {  	_ =	shalt  }
0x64: {  	_ =	shalt  }
0x65: {  	_ =	shalt  }
0x66: {  	_ =	shalt  }
0x67: {  	_ =	shalt  }
0x68: {  	_ =	shalt  }
0x69: {  	_ =	shalt  }
0x6a: {  	_ =	shalt  }
0x6b: {  	_ =	shalt  }
0x6c: {  	_ =	shalt  }
0x6d: {  	_ =	shalt  }
0x6e: {  	_ =	shalt  }
0x6f: {  	_ =	shalt  }
0x70: {  	_ =	shalt  }
0x71: {  	_ =	shalt  }
0x72: {  	_ =	shalt  }
0x73: {  	_ =	shalt  }
0x74: {  	_ =	shalt  }
0x75: {  	_ =	shalt  }
0x76: {  	_ =	shalt  }
0x77: {  	_ =	shalt  }
0x78: {  	_ =	shalt  }
0x79: {  	_ =	shalt  }
0x7a: {  	_ =	shalt  }
0x7b: {  	_ =	shalt  }
0x7c: {  	_ =	shalt  }
0x7d: {  	_ =	shalt  }
0x7e: {  	_ =	shalt  }
0x7f: {  	_ =	shalt  }
0x80: {  	_ =	shalt  }
0x81: {  	_ =	shalt  }
0x82: {  	_ =	shalt  }
0x83: {  	_ =	shalt  }
0x84: {  	_ =	shalt  }
0x85: {  	_ =	shalt  }
0x86: {  	_ =	shalt  }
0x87: {  	_ =	shalt  }
.Lfunc_end0:
.L_simem_size_0:
called_computation.1_lowered:
.L_overlay_start_0:
0x88: {  	s2 =	sld [smem:$0x3FD9]  }
0x89: {  	s3 =	sld [smem:$0x3FFE];
	_ =	sdelay $0x1  }
0x8a: {  	s1 =	srdreg.scid  }
0x8b: {  	s0 =	sand.u32 $0x1, s1  }
0x8c: {  	s17 =	sshll.u32 s0, $0xA;
	s2 =	sadd.s32 s3, s2  }
0x8d: {  	s2 =	sadd.s32 s2, s17  }
0x8e: {  	[smem:$0x3FB8] =	sst s2  }
0x8f: {  	_ = 	snop  }
0x90: {  	s2 =	sld [smem:$0x3FD0];
	(tm) =	ssettm $0x1  }
0x91: {  	s18 =	sld [smem:$0x3FFB];
	_ =	sdelay $0x3  }
0x92: {  	_ =	strace s18  }
0x93: {  	s3 =	sld [smem:$0x3FFC];
	_ =	sdelay $0x3  }
0x94: {  	_ =	strace s3  }
0x95: {  	s3 =	sld [smem:$0x3FFD];
	_ =	sdelay $0x3  }
0x96: {  	_ =	strace s3  }
0x97: {  	_ =	strace $0x8FFFFFFF  }
0x98: {  	s19 =	sld [smem:$0x3FDB];
	_ =	sdelay $0x1  }
0x99: {  	s4 =	simm.s32 $_scs_section_size  }
0x9a: {  	s5 =	simm.s32 $_size__tile_overlayer_lowered;
	s6 =	simm.s32 $_tile_overlayer_lowered  }
0x9b: {  	s22 =	simm.s32 $0x1BFF;
	s21 =	sshll.u32 s6, $0x1;
	s3 =	sadd.s32 s4, s19  }
0x9c: {  	s7 =	simm.s32 $0x0;
	s20 =	sshll.u32 s5, $0x1;
	s5 =	sadd.s32 s21, s3  }
0x9d: {  	[timem:s7], [sflag:s22] =	dma.local [hbm:s5], s20  }
0x9e: {  	_ =	swait.ge [sflag:s22], s20  }
0x9f: {  	s4 =	ssub.s32 $0x0, s20;
	[sflag:s22] =	ssyncset.done $0x0  }
0xa0: {  	[sflag:s22] =	ssyncadd.s32 s4;
	_ =	sdelay $0x1  }
0xa1: {  	s23 =	simm.s32 $0x1B8B  }
0xa2: {  	_ =	swait.ge [sflag:s23], $0x1  }
0xa3: {  	[sflag:s23] =	ssyncset.done $0x0  }
0xa4: {  	s25 =	simm.s32 $0x1B8E;
	s24 =	sld [smem:$0x3FFE];
	[sflag:s23] =	ssyncadd.s32 $0xFFFFFFFF  }
0xa5: {  	s26 =	simm.s32 $execute0_lowered;
	[smem:$0x3FD2] =	sst s25  }
0xa6: {  	s5 =	sshll.u32 s26, $0x1;
	_ =	strace $0x80000049;
	[dreg:$0x1] =	wrdreg $0xFFFFFFFF  }
0xa7: {  	s28 =	simm.s32 $_size_execute0_lowered;
	s3 =	sadd.s32 s3, s5;
	[dreg:$0x0] =	wrdreg $0x0  }
0xa8: {  	s5 =	sshll.u32 s28, $0x1;
	[dreg:$0x2] =	wrdreg s3  }
0xa9: {  	[dreg:$0x3] =	wrdreg s5  }
0xaa: {  	[dreg:$0x4] =	wrdreg $0xC0  }
0xab: {  	_ =	task [dreg:s7], $0x5FFFF  }
0xac: {  	[dreg:$0x1] =	wrdreg $0xFFFFFFFF  }
0xad: {  	[dreg:$0x0] =	wrdreg $0x60  }
0xae: {  	[dreg:$0x2] =	wrdreg s24  }
0xaf: {  	[dreg:$0x3] =	wrdreg s2  }
0xb0: {  	[dreg:$0x4] =	wrdreg $0x90000  }
0xb1: {  	[dreg:$0x5] =	wrdreg $0x9  }
0xb2: {  	_ =	task.clear_ibuf [dreg:s7], $0x6FFFF;
	_ =	strace $0x90000049  }
0xb3: {  	s29 =	simm.s32 $0x9;
	_ =	strace $0x8000004B  }
0xb4: {  	_ =	swait.ge [sflag:s29], $0x1  }
0xb5: {  	[sflag:s29] =	ssyncadd.s32 $0xFFFFFFFF  }
0xb6: {  	_ =	strace $0x9000004B  }
0xb7: {  	_ =	sfence  }
0xb8: {  	s30 =	sld [smem:$0x0];
	_ =	sdelay $0x2  }
0xb9: {  	s31 =	sshll.u32 s1, $0xD;
	s1 =	sshrl.u32 s1, $0x2  }
0xba: {  	s3 =	sand.u32 $0x4000, s31;
	s1 =	sadd.s32 s1, s30  }
0xbb: {  	s0 =	sor.u32 s3, s0;
	s1 =	sshll.u32 s1, $0x11  }
0xbc: {  	s0 =	sor.u32 s1, s0  }
0xbd: {  	s0 =	sadd.s32 $0x8F2B, s0  }
0xbe: {  	[sflag:s0] =	ssyncadd.remote.s32 $0x1  }
0xbf: {  	_ =	sfence.sel $0xFFFF  }
0xc0: {  	[dreg:$0x0] =	wrdreg $0xFFFFFFFF;
	(pc) =	sbr.abs _section_cstart, $3  }
0xc1: {  	[dreg:$0x1] =	wrdreg $0xFFFFFFFF  }
0xc2: {  	_ =	task.clear_ibuf [dreg:s7], $0x2FFFF;
	_ =	strace $0x9FFFFFFF  }
0xc3: {  	(tm) =	ssettm $0x7FFFFFFF  }
tec
execute0_lowered:
.L_overlay_start_1:
0x0: {  	(tag) =	ssettag $0x1  }
0x1: {  	s5 =	rddreg [dreg:$0x0]  }
0x2: {  	s7 =	rddreg [dreg:$0x1]  }
0x3: {  	s2 =	rddreg [dreg:$0x2]  }
0x4: {  	s0 =	rddreg [dreg:$0x3];
	s4 =	srdreg.scid  }
0x5: {  	s1 =	stileid.u32;
	s3 =	simm.s32 $0x0;
	s14 =	simm.s32 $0x80  }
0x6: {  	s15 =	simm.s32 $0x5000;
	s16 =	simm.s32 $0x1;
	s17 =	simm.s32 $0x0  }
0x7: {  	s6 =	sand.u32 $0x1, s4;
	s8 =	smul.u32 $0x14000, s1;
	[smem:$0x7FF] =	sst s3  }
0x8: {  	s26 =	sshll.u32 s1, $0x1;
	s4 =	sadd.s32 $0xDE00, s5;
	s11 =	smul.u32 $0x50000, s1  }
0x9: {  	s31 =	sshll.u32 s1, $0x6;
	s9 =	smul.u32 $0x140000, s6;
	s10 =	sor.u32 s6, s26  }
0xa: {  	_ =	strace $0x8000004A;
	s6 =	ssub.s32 $0x2, s6;
	s10 =	smul.u32 $0x500, s10  }
0xb: {  	s28 =	sshrl.u32 s6, $0x1;
	s29 =	sshrl.u32 s11, $0x2;
	s30 =	sshrl.u32 s8, $0x3  }
0xc: {  	s9 =	sadd.s32 s8, s9;
	s13 =	ssub.s32 s6, s28;
	s11 =	sadd.s32 s29, s2  }
0xd: {  	s6 =	sor.u32 $0x1C02, s31;
	s9 =	sshrl.u32 s9, $0x3;
	s12 =	sadd.s32 s10, s5  }
0xe: {  	s7 =	sadd.s32 s7, s10;
	s10 =	smax.u32 s13, $0x1;
	s11 =	sshrl.u32 s11, $0x3  }
0xf: {  	s13 =	simm.s32 $0x2800;
	s9 =	sadd.s32 s9, s5;
	s5 =	sadd.s32 s4, s30  }
0x10: {  	s8 =	sadd.s32 $0x3E00, s12;
	s12 =	simm.s32 $0x2;
	s9 =	sadd.s32 $0x35E00, s9  }
.LBB2_1:
0x11: {  	[spmem:s11], [sflag:s6] =	dma.local [hbm:s5], $0x2800  }
0x12: {  	_ =	swait.ge [sflag:s12], $0x2800  }
0x13: {  	[sflag:s12] =	ssyncset.done $0x0  }
0x14: {  	[sflag:s12] =	ssyncadd.s32 $0xFFFFD800  }
0x15: {  	[tilespmem:s3], [sflag:$0x2] =	stream.linear.gather [hbm4b:s7+s3], $0x2780, $0x38;
	[tilespmem:$0x1D000] =	vst v63  }
0x16: {  	_ =	swait.ge [sflag:s12], $0x2780  }
0x17: {  	[sflag:s12] =	ssyncset.done $0x0  }
0x18: {  	[sflag:s12] =	ssyncadd.s32 $0xFFFFD880  }
0x19: {  	[tilespmem:s13], [sflag:$0x2] =	stream.linear.gather [hbm4b:s8+s3], $0x2780, $0x38;
	[tilespmem:$0x1D000] =	vst v63  }
0x1a: {  	_ =	swait.ge [sflag:s12], $0x2780  }
0x1b: {  	[sflag:s12] =	ssyncset.done $0x0  }
0x1c: {  	[sflag:s12] =	ssyncadd.s32 $0xFFFFD880  }
0x1d: {  	s18 =	simm.s32 $0x0;
	[bflag:$0x0] =	sbarrier.arrive $0xFFFF  }
0x1e: {  	[tilespmem:s15], [sflag:$0x1] =	stream.indirect.gather [hbm4b:s4+s14], $0x80, s18, s14, $0xb8;
	[tilespmem:$0x1D000] =	vst v63  }
0x1f: {  	_ =	swait.ge [sflag:s16], $0x4000  }
0x20: {  	[sflag:s16] =	ssyncset.done $0x0  }
0x21: {  	s31 =	simm.s32 $0x2800;
	[sflag:s16] =	ssyncadd.s32 $0xFFFFC000  }
0x22: {  	[spmem:s2] =	stream.indirect.scatter.add.f32 [tilespmem:s15], [sflag:$0x2], $0x80, s31, s14, $0xb8;
	[tilespmem:$0x1D000] =	vst v63  }
0x23: {  	_ =	swait.ge [sflag:s12], $0x4000  }
0x24: {  	s19 =	simm.s32 $0x400;
	s18 =	simm.s32 $0x200;
	[sflag:s12] =	ssyncset.done $0x0  }
.LBB2_2:
0x25: {  	s20 =	sshra.s32 s18, $0x2  }
0x26: {  	[sflag:s12] =	ssyncadd.s32 $0xFFFFC000;
	s18 =	smov.u32 s19;
	s21 =	sadd.s32 $0x200, s19  }
0x27: {  	[tilespmem:s15], [sflag:$0x1] =	stream.indirect.gather [hbm4b:s4+s14], $0x80, s20, s14, $0xb8;
	[tilespmem:$0x1D000] =	vst v63  }
0x28: {  	p0 =	sne.s32 s19, $0x9C00;
	_ =	swait.ge [sflag:s16], $0x4000  }
.Ltmp0:
0x29: {  	[sflag:s16] =	ssyncset.done $0x0;
	(pc) =	sbr.rel @p0 .LBB2_2-.Ltmp0, $4  }
0x2a: {  	s19 =	sadd.s32 $0x2800, s20;
	[sflag:s16] =	ssyncadd.s32 $0xFFFFC000  }
0x2b: {  	[spmem:s2] =	stream.indirect.scatter.add.f32 [tilespmem:s15], [sflag:$0x2], $0x80, s19, s14, $0xb8;
	[tilespmem:$0x1D000] =	vst v63  }
0x2c: {  	_ =	swait.ge [sflag:s12], $0x4000  }
0x2d: {  	s19 =	smov.u32 s21;
	[sflag:s12] =	ssyncset.done $0x0  }
0x2e: {  	s18 =	sshra.s32 s18, $0x2;
	[sflag:s12] =	ssyncadd.s32 $0xFFFFC000  }
0x2f: {  	[tilespmem:s15], [sflag:$0x1] =	stream.indirect.gather [hbm4b:s4+s14], $0x80, s18, s14, $0xb8;
	[tilespmem:$0x1D000] =	vst v63  }
0x30: {  	_ =	swait.ge [sflag:s16], $0x4000  }
0x31: {  	[sflag:s16] =	ssyncset.done $0x0  }
0x32: {  	s18 =	sadd.s32 $0x2800, s18;
	[sflag:s16] =	ssyncadd.s32 $0xFFFFC000  }
0x33: {  	[spmem:s2] =	stream.indirect.scatter.add.f32 [tilespmem:s15], [sflag:$0x2], $0x80, s18, s14, $0xb8;
	[tilespmem:$0x1D000] =	vst v63  }
0x34: {  	_ =	swait.ge [sflag:s12], $0x4000  }
0x35: {  	s17 =	sadd.s32 $0x1, s17;
	[sflag:s12] =	ssyncset.done $0x0  }
0x36: {  	p0 =	sne.s32 s17, s10;
	[sflag:s12] =	ssyncadd.s32 $0xFFFFC000  }
.Ltmp1:
0x37: {  	[bflag:$0x0] =	sbarrier.arrive $0xFFFF;
	(pc) =	sbr.rel @p0 .LBB2_1-.Ltmp1, $4  }
0x38: {  	[hbm:s9], [sflag:s6] =	dma.local [spmem:s11], $0x2800  }
0x39: {  	_ =	swait.ge [sflag:s12], $0x2800  }
0x3a: {  	[sflag:s12] =	ssyncset.done $0x0  }
0x3b: {  	[sflag:s12] =	ssyncadd.s32 $0xFFFFD800  }
0x3c: {  	_ =	sfence.sel $0x180000  }
0x3d: {  	[bflag:$0x0] =	sbarrier.arrive $0xFFFF  }
0x3e: {  	p0 =	sne.s32 s1, $0x0;
	_ =	strace $0x9000004A  }
0x3f: {  	s0 =	sadd.s32 @!p0 $0x100000, s0;
	[bflag:$0x2] =	sbarrier.arrive $0xFFFF  }
0x40: {  	[sflag:s0] =	ssyncadd.tile.s32 @!p0 $0x1;
	_ =	shalt  }
.Lfunc_end2:
_tile_overlayer_lowered:
.L_overlay_start_2:
0x41: {  	(tag) =	ssettag $0x2  }
0x42: {  	s0 =	rddreg [dreg:$0x0];
	s2 =	stileid.u32  }
0x43: {  	s1 =	rddreg [dreg:$0x1];
	p0 =	sne.s32 s2, $0x0  }
0x44: {  	s3 =	rddreg [dreg:$0x2];
	[bflag:$0x3] =	sbarrier.arrive $0xFFFF;
	s2 =	simm.s32 @!p0 $0x1C02  }
0x45: {  	[timem:s3], [sflag:s2] =	dma.local @!p0 [hbm:s0], s1  }
0x46: {  	s0 =	simm.s32 @!p0 $0x2  }
0x47: {  	_ =	swait.ge @!p0 [sflag:s0], s1  }
0x48: {  	s1 =	ssub.s32 @!p0 $0x0, s1;
	[sflag:s0] =	ssyncset.done @!p0 $0x0  }
0x49: {  	[sflag:s0] =	ssyncadd.s32 @!p0 s1  }
0x4a: {  	[bflag:$0x3] =	sbarrier.arrive $0xFFFF  }
0x4b: {  	_ =	shalt  }

// kernel: kernel.14.cloned.1.call-start
scs
__scs_entry_jumppad:
0x0: {  	(pc) =	sbr.rel $0x88, $3  }
0x1: {  	(tag) =	ssettag $0x0;
	lr =	simm.s32 $0x1  }
0x2: {  	[smem:$0x3F91] =	sst lr;
	_ =	strace $0xD0000000  }
0x3: {  	_ = 	snop  }
0x4: {  	_ = 	snop  }
0x5: {  	_ = 	snop  }
0x6: {  	_ = 	snop  }
0x7: {  	_ = 	snop  }
__scs_overlays_trampoline_lowered:
0x8: {  	[smem:$0x3FA0] =	sst s0  }
0x9: {  	[smem:$0x3FA1] =	sst s1  }
0xa: {  	[smem:$0x3FA2] =	sst s2  }
0xb: {  	[smem:$0x3FA3] =	sst s3  }
0xc: {  	[smem:$0x3FA4] =	sst s4  }
0xd: {  	[smem:$0x3FA5] =	sst s5  }
0xe: {  	[smem:$0x3FA6] =	sst s6  }
0xf: {  	[smem:$0x3FA7] =	sst s7  }
0x10: {  	[smem:$0x3FA8] =	sst s8  }
0x11: {  	[smem:$0x3FA9] =	sst s9;
	s0 =	simm.s32 @!p0 $0x0  }
0x12: {  	s1 =	sld [smem:$0x3F8F];
	s0 =	simm.s32 @p0 $0x1  }
0x13: {  	[smem:$0x3FAA] =	sst s0;
	s0 =	simm.s32 @!p1 $0x0  }
0x14: {  	s2 =	sld [smem:$0x3F8E];
	s0 =	simm.s32 @p1 $0x1  }
0x15: {  	[smem:$0x3FAB] =	sst s0;
	s0 =	simm.s32 @!p2 $0x0  }
0x16: {  	s3 =	sld [smem:$0x3FDB];
	s0 =	simm.s32 @p2 $0x1  }
0x17: {  	s4 =	simm.s32 $0x1BF5;
	[smem:$0x3FAD] =	sst s0  }
0x18: {  	s0 =	sld [smem:$0x3F90];
	_ =	swait.ge [sflag:s4], $0x0  }
0x19: {  	s7 =	sld [smem:$0x3F91]  }
0x1a: {  	s8 =	sadd.s32 $0xFFFFE003, lr  }
0x1b: {  	s9 =	sadd.s32 $0xFFFFFEF7, lr;
	s5 =	simm.s32 $0xFFFFFFFF;
	p2 =	slt.u32 s8, $0xFFFFF086  }
0x1c: {  	p1 =	slt.u32 s9, $0xF7A;
	s5 =	simm.s32 @!p2 $0x0  }
0x1d: {  	s5 =	simm.s32 @p1 $0x1;
	p0 =	seq.s32 s7, s2  }
0x1e: {  	s7 =	smul.u32 @!p0 $0xF7A, s2;
	p2 =	seq.s32 @!p0 s5, $0x0  }
0x1f: {  	s9 =	smul.u32 $0xF7A, s1;
	s8 =	simm.s32 @!p0 $0x1BF5;
	p2 =	por !p2, p0  }
0x20: {  	[sflag:s8] =	ssyncset.s32 @!p0 $0xFFFFF086;
	s6 =	sadd.s32 @!p0 s3, s7;
	s7 =	simm.s32 @!p0 $0x108  }
0x21: {  	s3 =	sadd.s32 s3, s9;
	s6 =	sadd.s32 @!p0 $0x88, s6;
	s7 =	simm.s32 @p2 $0x1082  }
0x22: {  	[simem:s7], [sflag:s8] =	dma.local @!p0 [hbm:s6], $0xF7A  }
0x23: {  	s9 =	sor.u32 $0xD0000000, s2;
	s6 =	simm.s32 $0x108;
	_ =	swait.ge @!p0 [sflag:s8], $0x0  }
0x24: {  	s3 =	sadd.s32 $0x88, s3;
	s6 =	simm.s32 @!p1 $0x1082;
	[sflag:s4] =	ssyncset.s32 $0xFFFFF086  }
0x25: {  	[simem:s6], [sflag:s4] =	dma.local [hbm:s3], $0xF7A  }
0x26: {  	[smem:$0x3F91] =	sst s1;
	(tag) =	ssettag s2;
	_ =	strace s9  }
0x27: {  	s1 =	sld [smem:$0x3FA1]  }
0x28: {  	s2 =	sld [smem:$0x3FA2]  }
0x29: {  	s4 =	sld [smem:$0x3FA4]  }
0x2a: {  	p0 =	seq.s32 s5, $0x0;
	s5 =	sld [smem:$0x3FA5]  }
0x2b: {  	s6 =	sld [smem:$0x3FA6]  }
0x2c: {  	s7 =	sld [smem:$0x3FA7]  }
0x2d: {  	s3 =	simm.s32 $0x108;
	s8 =	sld [smem:$0x3FA8]  }
0x2e: {  	s3 =	simm.s32 @!p0 $0x1082;
	s9 =	sld [smem:$0x3FA9]  }
0x2f: {  	lr =	sadd.s32 s0, s3;
	s0 =	sld [smem:$0x3FA0]  }
0x30: {  	s3 =	sld [smem:$0x3FA3]  }
0x31: {  	[smem:$0x3FAC] =	sst s10  }
0x32: {  	s10 =	sld [smem:$0x3FAA];
	_ =	sdelay $0x3  }
0x33: {  	p0 =	seq.s32 s10, $0x1;
	s10 =	sld [smem:$0x3FAC];
	_ =	sdelay $0x3  }
0x34: {  	[smem:$0x3FAC] =	sst s10  }
0x35: {  	s10 =	sld [smem:$0x3FAB];
	_ =	sdelay $0x3  }
0x36: {  	p1 =	seq.s32 s10, $0x1;
	s10 =	sld [smem:$0x3FAC];
	_ =	sdelay $0x3  }
0x37: {  	[smem:$0x3FAC] =	sst s10  }
0x38: {  	s10 =	sld [smem:$0x3FAD]  }
0x39: {  	_ = 	snop;
	(pc) =	sbr.ind lr, $3  }
0x3a: {  	_ = 	snop  }
0x3b: {  	_ = 	snop  }
0x3c: {  	p2 =	seq.s32 s10, $0x1;
	s10 =	sld [smem:$0x3FAC]  }
0x3d: {  	_ =	shalt  }
0x3e: {  	_ =	shalt  }
0x3f: {  	_ =	shalt  }
0x40: {  	_ =	shalt  }
0x41: {  	_ =	shalt  }
0x42: {  	_ =	shalt  }
0x43: {  	_ =	shalt  }
0x44: {  	_ =	shalt  }
0x45: {  	_ =	shalt  }
0x46: {  	_ =	shalt  }
0x47: {  	_ =	shalt  }
0x48: {  	_ =	shalt  }
0x49: {  	_ =	shalt  }
0x4a: {  	_ =	shalt  }
0x4b: {  	_ =	shalt  }
0x4c: {  	_ =	shalt  }
0x4d: {  	_ =	shalt  }
0x4e: {  	_ =	shalt  }
0x4f: {  	_ =	shalt  }
0x50: {  	_ =	shalt  }
0x51: {  	_ =	shalt  }
0x52: {  	_ =	shalt  }
0x53: {  	_ =	shalt  }
0x54: {  	_ =	shalt  }
0x55: {  	_ =	shalt  }
0x56: {  	_ =	shalt  }
0x57: {  	_ =	shalt  }
0x58: {  	_ =	shalt  }
0x59: {  	_ =	shalt  }
0x5a: {  	_ =	shalt  }
0x5b: {  	_ =	shalt  }
0x5c: {  	_ =	shalt  }
0x5d: {  	_ =	shalt  }
0x5e: {  	_ =	shalt  }
0x5f: {  	_ =	shalt  }
0x60: {  	_ =	shalt  }
0x61: {  	_ =	shalt  }
0x62: {  	_ =	shalt  }
0x63: {  	_ =	shalt  }
0x64: {  	_ =	shalt  }
0x65: {  	_ =	shalt  }
0x66: {  	_ =	shalt  }
0x67: {  	_ =	shalt  }
0x68: {  	_ =	shalt  }
0x69: {  	_ =	shalt  }
0x6a: {  	_ =	shalt  }
0x6b: {  	_ =	shalt  }
0x6c: {  	_ =	shalt  }
0x6d: {  	_ =	shalt  }
0x6e: {  	_ =	shalt  }
0x6f: {  	_ =	shalt  }
0x70: {  	_ =	shalt  }
0x71: {  	_ =	shalt  }
0x72: {  	_ =	shalt  }
0x73: {  	_ =	shalt  }
0x74: {  	_ =	shalt  }
0x75: {  	_ =	shalt  }
0x76: {  	_ =	shalt  }
0x77: {  	_ =	shalt  }
0x78: {  	_ =	shalt  }
0x79: {  	_ =	shalt  }
0x7a: {  	_ =	shalt  }
0x7b: {  	_ =	shalt  }
0x7c: {  	_ =	shalt  }
0x7d: {  	_ =	shalt  }
0x7e: {  	_ =	shalt  }
0x7f: {  	_ =	shalt  }
0x80: {  	_ =	shalt  }
0x81: {  	_ =	shalt  }
0x82: {  	_ =	shalt  }
0x83: {  	_ =	shalt  }
0x84: {  	_ =	shalt  }
0x85: {  	_ =	shalt  }
0x86: {  	_ =	shalt  }
0x87: {  	_ =	shalt  }
.Lfunc_end0:
.L_simem_size_0:
called_computation.2_lowered:
.L_overlay_start_0:
0x88: {  	s2 =	sld [smem:$0x3FD9]  }
0x89: {  	s3 =	sld [smem:$0x3FFE];
	_ =	sdelay $0x1  }
0x8a: {  	s1 =	srdreg.scid  }
0x8b: {  	s0 =	sand.u32 $0x1, s1  }
0x8c: {  	s17 =	sshll.u32 s0, $0xA;
	s2 =	sadd.s32 s3, s2  }
0x8d: {  	s2 =	sadd.s32 s2, s17  }
0x8e: {  	[smem:$0x3FB8] =	sst s2  }
0x8f: {  	_ = 	snop  }
0x90: {  	s2 =	sld [smem:$0x3FD0];
	(tm) =	ssettm $0x1  }
0x91: {  	s18 =	sld [smem:$0x3FFB];
	_ =	sdelay $0x3  }
0x92: {  	_ =	strace s18  }
0x93: {  	s3 =	sld [smem:$0x3FFC];
	_ =	sdelay $0x3  }
0x94: {  	_ =	strace s3  }
0x95: {  	s3 =	sld [smem:$0x3FFD];
	_ =	sdelay $0x3  }
0x96: {  	_ =	strace s3  }
0x97: {  	_ =	strace $0x8FFFFFFF  }
0x98: {  	s19 =	sld [smem:$0x3FDB];
	_ =	sdelay $0x1  }
0x99: {  	s4 =	simm.s32 $_scs_section_size  }
0x9a: {  	s5 =	simm.s32 $_size__tile_overlayer_lowered;
	s6 =	simm.s32 $_tile_overlayer_lowered  }
0x9b: {  	s22 =	simm.s32 $0x1BFF;
	s21 =	sshll.u32 s6, $0x1;
	s3 =	sadd.s32 s4, s19  }
0x9c: {  	s7 =	simm.s32 $0x0;
	s20 =	sshll.u32 s5, $0x1;
	s5 =	sadd.s32 s21, s3  }
0x9d: {  	[timem:s7], [sflag:s22] =	dma.local [hbm:s5], s20  }
0x9e: {  	_ =	swait.ge [sflag:s22], s20  }
0x9f: {  	s4 =	ssub.s32 $0x0, s20;
	[sflag:s22] =	ssyncset.done $0x0  }
0xa0: {  	[sflag:s22] =	ssyncadd.s32 s4;
	_ =	sdelay $0x1  }
0xa1: {  	s23 =	simm.s32 $0x1B8B  }
0xa2: {  	_ =	swait.ge [sflag:s23], $0x1  }
0xa3: {  	[sflag:s23] =	ssyncset.done $0x0  }
0xa4: {  	s25 =	simm.s32 $0x1B8E;
	s24 =	sld [smem:$0x3FFE];
	[sflag:s23] =	ssyncadd.s32 $0xFFFFFFFF  }
0xa5: {  	s26 =	simm.s32 $execute0_lowered;
	[smem:$0x3FD2] =	sst s25  }
0xa6: {  	s5 =	sshll.u32 s26, $0x1;
	_ =	strace $0x8000004C;
	[dreg:$0x1] =	wrdreg $0xFFFFFFFF  }
0xa7: {  	s28 =	simm.s32 $_size_execute0_lowered;
	s3 =	sadd.s32 s3, s5;
	[dreg:$0x0] =	wrdreg $0x0  }
0xa8: {  	s5 =	sshll.u32 s28, $0x1;
	[dreg:$0x2] =	wrdreg s3  }
0xa9: {  	[dreg:$0x3] =	wrdreg s5  }
0xaa: {  	[dreg:$0x4] =	wrdreg $0xC0  }
0xab: {  	_ =	task [dreg:s7], $0x5FFFF  }
0xac: {  	[dreg:$0x1] =	wrdreg $0xFFFFFFFF  }
0xad: {  	[dreg:$0x0] =	wrdreg $0x60  }
0xae: {  	[dreg:$0x2] =	wrdreg s24  }
0xaf: {  	[dreg:$0x3] =	wrdreg s2  }
0xb0: {  	[dreg:$0x4] =	wrdreg $0x90000  }
0xb1: {  	[dreg:$0x5] =	wrdreg $0x9  }
0xb2: {  	_ =	task.clear_ibuf [dreg:s7], $0x6FFFF;
	_ =	strace $0x9000004C  }
0xb3: {  	s29 =	simm.s32 $0x9;
	_ =	strace $0x8000004E  }
0xb4: {  	_ =	swait.ge [sflag:s29], $0x1  }
0xb5: {  	[sflag:s29] =	ssyncadd.s32 $0xFFFFFFFF  }
0xb6: {  	_ =	strace $0x9000004E  }
0xb7: {  	_ =	sfence  }
0xb8: {  	s30 =	sld [smem:$0x0];
	_ =	sdelay $0x2  }
0xb9: {  	s31 =	sshll.u32 s1, $0xD;
	s1 =	sshrl.u32 s1, $0x2  }
0xba: {  	s3 =	sand.u32 $0x4000, s31;
	s1 =	sadd.s32 s1, s30  }
0xbb: {  	s0 =	sor.u32 s3, s0;
	s1 =	sshll.u32 s1, $0x11  }
0xbc: {  	s0 =	sor.u32 s1, s0  }
0xbd: {  	s0 =	sadd.s32 $0x8F2B, s0  }
0xbe: {  	[sflag:s0] =	ssyncadd.remote.s32 $0x1  }
0xbf: {  	_ =	sfence.sel $0xFFFF  }
0xc0: {  	[dreg:$0x0] =	wrdreg $0xFFFFFFFF;
	(pc) =	sbr.abs _section_cstart, $3  }
0xc1: {  	[dreg:$0x1] =	wrdreg $0xFFFFFFFF  }
0xc2: {  	_ =	task.clear_ibuf [dreg:s7], $0x2FFFF;
	_ =	strace $0x9FFFFFFF  }
0xc3: {  	(tm) =	ssettm $0x7FFFFFFF  }
tec
execute0_lowered:
.L_overlay_start_1:
0x0: {  	(tag) =	ssettag $0x1  }
0x1: {  	s5 =	rddreg [dreg:$0x0]  }
0x2: {  	s7 =	rddreg [dreg:$0x1]  }
0x3: {  	s2 =	rddreg [dreg:$0x2]  }
0x4: {  	s0 =	rddreg [dreg:$0x3];
	s4 =	srdreg.scid  }
0x5: {  	s1 =	stileid.u32;
	s3 =	simm.s32 $0x0;
	s14 =	simm.s32 $0x80  }
0x6: {  	s15 =	simm.s32 $0x5000;
	s16 =	simm.s32 $0x1;
	s17 =	simm.s32 $0x0  }
0x7: {  	s6 =	sand.u32 $0x1, s4;
	s8 =	smul.u32 $0x14000, s1;
	[smem:$0x7FF] =	sst s3  }
0x8: {  	s26 =	sshll.u32 s1, $0x1;
	s4 =	sadd.s32 $0xDE00, s5;
	s11 =	smul.u32 $0x50000, s1  }
0x9: {  	s31 =	sshll.u32 s1, $0x6;
	s9 =	smul.u32 $0x140000, s6;
	s10 =	sor.u32 s6, s26  }
0xa: {  	_ =	strace $0x8000004D;
	s6 =	ssub.s32 $0x2, s6;
	s10 =	smul.u32 $0x500, s10  }
0xb: {  	s28 =	sshrl.u32 s6, $0x1;
	s29 =	sshrl.u32 s11, $0x2;
	s30 =	sshrl.u32 s8, $0x3  }
0xc: {  	s9 =	sadd.s32 s8, s9;
	s13 =	ssub.s32 s6, s28;
	s11 =	sadd.s32 s29, s2  }
0xd: {  	s6 =	sor.u32 $0x1C02, s31;
	s9 =	sshrl.u32 s9, $0x3;
	s12 =	sadd.s32 s10, s5  }
0xe: {  	s7 =	sadd.s32 s7, s10;
	s10 =	smax.u32 s13, $0x1;
	s11 =	sshrl.u32 s11, $0x3  }
0xf: {  	s13 =	simm.s32 $0x2800;
	s9 =	sadd.s32 s9, s5;
	s5 =	sadd.s32 s4, s30  }
0x10: {  	s8 =	sadd.s32 $0x3E00, s12;
	s12 =	simm.s32 $0x2;
	s9 =	sadd.s32 $0x35E00, s9  }
.LBB2_1:
0x11: {  	[spmem:s11], [sflag:s6] =	dma.local [hbm:s5], $0x2800  }
0x12: {  	_ =	swait.ge [sflag:s12], $0x2800  }
0x13: {  	[sflag:s12] =	ssyncset.done $0x0  }
0x14: {  	[sflag:s12] =	ssyncadd.s32 $0xFFFFD800  }
0x15: {  	[tilespmem:s3], [sflag:$0x2] =	stream.linear.gather [hbm4b:s7+s3], $0x2780, $0x38;
	[tilespmem:$0x1D000] =	vst v63  }
0x16: {  	_ =	swait.ge [sflag:s12], $0x2780  }
0x17: {  	[sflag:s12] =	ssyncset.done $0x0  }
0x18: {  	[sflag:s12] =	ssyncadd.s32 $0xFFFFD880  }
0x19: {  	[tilespmem:s13], [sflag:$0x2] =	stream.linear.gather [hbm4b:s8+s3], $0x2780, $0x38;
	[tilespmem:$0x1D000] =	vst v63  }
0x1a: {  	_ =	swait.ge [sflag:s12], $0x2780  }
0x1b: {  	[sflag:s12] =	ssyncset.done $0x0  }
0x1c: {  	[sflag:s12] =	ssyncadd.s32 $0xFFFFD880  }
0x1d: {  	s18 =	simm.s32 $0x0;
	[bflag:$0x0] =	sbarrier.arrive $0xFFFF  }
0x1e: {  	[tilespmem:s15], [sflag:$0x1] =	stream.indirect.gather [hbm4b:s4+s14], $0x80, s18, s14, $0xb8;
	[tilespmem:$0x1D000] =	vst v63  }
0x1f: {  	_ =	swait.ge [sflag:s16], $0x4000  }
0x20: {  	[sflag:s16] =	ssyncset.done $0x0  }
0x21: {  	s31 =	simm.s32 $0x2800;
	[sflag:s16] =	ssyncadd.s32 $0xFFFFC000  }
0x22: {  	[spmem:s2] =	stream.indirect.scatter.add.f32 [tilespmem:s15], [sflag:$0x2], $0x80, s31, s14, $0xb8;
	[tilespmem:$0x1D000] =	vst v63  }
0x23: {  	_ =	swait.ge [sflag:s12], $0x4000  }
0x24: {  	s19 =	simm.s32 $0x400;
	s18 =	simm.s32 $0x200;
	[sflag:s12] =	ssyncset.done $0x0  }
.LBB2_2:
0x25: {  	s20 =	sshra.s32 s18, $0x2  }
0x26: {  	[sflag:s12] =	ssyncadd.s32 $0xFFFFC000;
	s18 =	smov.u32 s19;
	s21 =	sadd.s32 $0x200, s19  }
0x27: {  	[tilespmem:s15], [sflag:$0x1] =	stream.indirect.gather [hbm4b:s4+s14], $0x80, s20, s14, $0xb8;
	[tilespmem:$0x1D000] =	vst v63  }
0x28: {  	p0 =	sne.s32 s19, $0x9C00;
	_ =	swait.ge [sflag:s16], $0x4000  }
.Ltmp0:
0x29: {  	[sflag:s16] =	ssyncset.done $0x0;
	(pc) =	sbr.rel @p0 .LBB2_2-.Ltmp0, $4  }
0x2a: {  	s19 =	sadd.s32 $0x2800, s20;
	[sflag:s16] =	ssyncadd.s32 $0xFFFFC000  }
0x2b: {  	[spmem:s2] =	stream.indirect.scatter.add.f32 [tilespmem:s15], [sflag:$0x2], $0x80, s19, s14, $0xb8;
	[tilespmem:$0x1D000] =	vst v63  }
0x2c: {  	_ =	swait.ge [sflag:s12], $0x4000  }
0x2d: {  	s19 =	smov.u32 s21;
	[sflag:s12] =	ssyncset.done $0x0  }
0x2e: {  	s18 =	sshra.s32 s18, $0x2;
	[sflag:s12] =	ssyncadd.s32 $0xFFFFC000  }
0x2f: {  	[tilespmem:s15], [sflag:$0x1] =	stream.indirect.gather [hbm4b:s4+s14], $0x80, s18, s14, $0xb8;
	[tilespmem:$0x1D000] =	vst v63  }
0x30: {  	_ =	swait.ge [sflag:s16], $0x4000  }
0x31: {  	[sflag:s16] =	ssyncset.done $0x0  }
0x32: {  	s18 =	sadd.s32 $0x2800, s18;
	[sflag:s16] =	ssyncadd.s32 $0xFFFFC000  }
0x33: {  	[spmem:s2] =	stream.indirect.scatter.add.f32 [tilespmem:s15], [sflag:$0x2], $0x80, s18, s14, $0xb8;
	[tilespmem:$0x1D000] =	vst v63  }
0x34: {  	_ =	swait.ge [sflag:s12], $0x4000  }
0x35: {  	s17 =	sadd.s32 $0x1, s17;
	[sflag:s12] =	ssyncset.done $0x0  }
0x36: {  	p0 =	sne.s32 s17, s10;
	[sflag:s12] =	ssyncadd.s32 $0xFFFFC000  }
.Ltmp1:
0x37: {  	[bflag:$0x0] =	sbarrier.arrive $0xFFFF;
	(pc) =	sbr.rel @p0 .LBB2_1-.Ltmp1, $4  }
0x38: {  	[hbm:s9], [sflag:s6] =	dma.local [spmem:s11], $0x2800  }
0x39: {  	_ =	swait.ge [sflag:s12], $0x2800  }
0x3a: {  	[sflag:s12] =	ssyncset.done $0x0  }
0x3b: {  	[sflag:s12] =	ssyncadd.s32 $0xFFFFD800  }
0x3c: {  	_ =	sfence.sel $0x180000  }
0x3d: {  	[bflag:$0x0] =	sbarrier.arrive $0xFFFF  }
0x3e: {  	p0 =	sne.s32 s1, $0x0;
	_ =	strace $0x9000004D  }
0x3f: {  	s0 =	sadd.s32 @!p0 $0x100000, s0;
	[bflag:$0x2] =	sbarrier.arrive $0xFFFF  }
0x40: {  	[sflag:s0] =	ssyncadd.tile.s32 @!p0 $0x1;
	_ =	shalt  }
.Lfunc_end2:
_tile_overlayer_lowered:
.L_overlay_start_2:
0x41: {  	(tag) =	ssettag $0x2  }
0x42: {  	s0 =	rddreg [dreg:$0x0];
	s2 =	stileid.u32  }
0x43: {  	s1 =	rddreg [dreg:$0x1];
	p0 =	sne.s32 s2, $0x0  }
0x44: {  	s3 =	rddreg [dreg:$0x2];
	[bflag:$0x3] =	sbarrier.arrive $0xFFFF;
	s2 =	simm.s32 @!p0 $0x1C02  }
0x45: {  	[timem:s3], [sflag:s2] =	dma.local @!p0 [hbm:s0], s1  }
0x46: {  	s0 =	simm.s32 @!p0 $0x2  }
0x47: {  	_ =	swait.ge @!p0 [sflag:s0], s1  }
0x48: {  	s1 =	ssub.s32 @!p0 $0x0, s1;
	[sflag:s0] =	ssyncset.done @!p0 $0x0  }
0x49: {  	[sflag:s0] =	ssyncadd.s32 @!p0 s1  }
0x4a: {  	[bflag:$0x3] =	sbarrier.arrive $0xFFFF  }
0x4b: {  	_ =	shalt  }

// kernel: kernel.8.cloned.1.call-start
scs
__scs_entry_jumppad:
0x0: {  	(pc) =	sbr.rel $0x88, $3  }
0x1: {  	(tag) =	ssettag $0x0;
	lr =	simm.s32 $0x1  }
0x2: {  	[smem:$0x3F91] =	sst lr;
	_ =	strace $0xD0000000  }
0x3: {  	_ = 	snop  }
0x4: {  	_ = 	snop  }
0x5: {  	_ = 	snop  }
0x6: {  	_ = 	snop  }
0x7: {  	_ = 	snop  }
__scs_overlays_trampoline_lowered:
0x8: {  	[smem:$0x3FA0] =	sst s0  }
0x9: {  	[smem:$0x3FA1] =	sst s1  }
0xa: {  	[smem:$0x3FA2] =	sst s2  }
0xb: {  	[smem:$0x3FA3] =	sst s3  }
0xc: {  	[smem:$0x3FA4] =	sst s4  }
0xd: {  	[smem:$0x3FA5] =	sst s5  }
0xe: {  	[smem:$0x3FA6] =	sst s6  }
0xf: {  	[smem:$0x3FA7] =	sst s7  }
0x10: {  	[smem:$0x3FA8] =	sst s8  }
0x11: {  	[smem:$0x3FA9] =	sst s9;
	s0 =	simm.s32 @!p0 $0x0  }
0x12: {  	s1 =	sld [smem:$0x3F8F];
	s0 =	simm.s32 @p0 $0x1  }
0x13: {  	[smem:$0x3FAA] =	sst s0;
	s0 =	simm.s32 @!p1 $0x0  }
0x14: {  	s2 =	sld [smem:$0x3F8E];
	s0 =	simm.s32 @p1 $0x1  }
0x15: {  	[smem:$0x3FAB] =	sst s0;
	s0 =	simm.s32 @!p2 $0x0  }
0x16: {  	s3 =	sld [smem:$0x3FDB];
	s0 =	simm.s32 @p2 $0x1  }
0x17: {  	s4 =	simm.s32 $0x1BF5;
	[smem:$0x3FAD] =	sst s0  }
0x18: {  	s0 =	sld [smem:$0x3F90];
	_ =	swait.ge [sflag:s4], $0x0  }
0x19: {  	s7 =	sld [smem:$0x3F91]  }
0x1a: {  	s8 =	sadd.s32 $0xFFFFE003, lr  }
0x1b: {  	s9 =	sadd.s32 $0xFFFFFEF7, lr;
	s5 =	simm.s32 $0xFFFFFFFF;
	p2 =	slt.u32 s8, $0xFFFFF086  }
0x1c: {  	p1 =	slt.u32 s9, $0xF7A;
	s5 =	simm.s32 @!p2 $0x0  }
0x1d: {  	s5 =	simm.s32 @p1 $0x1;
	p0 =	seq.s32 s7, s2  }
0x1e: {  	s7 =	smul.u32 @!p0 $0xF7A, s2;
	p2 =	seq.s32 @!p0 s5, $0x0  }
0x1f: {  	s9 =	smul.u32 $0xF7A, s1;
	s8 =	simm.s32 @!p0 $0x1BF5;
	p2 =	por !p2, p0  }
0x20: {  	[sflag:s8] =	ssyncset.s32 @!p0 $0xFFFFF086;
	s6 =	sadd.s32 @!p0 s3, s7;
	s7 =	simm.s32 @!p0 $0x108  }
0x21: {  	s3 =	sadd.s32 s3, s9;
	s6 =	sadd.s32 @!p0 $0x88, s6;
	s7 =	simm.s32 @p2 $0x1082  }
0x22: {  	[simem:s7], [sflag:s8] =	dma.local @!p0 [hbm:s6], $0xF7A  }
0x23: {  	s9 =	sor.u32 $0xD0000000, s2;
	s6 =	simm.s32 $0x108;
	_ =	swait.ge @!p0 [sflag:s8], $0x0  }
0x24: {  	s3 =	sadd.s32 $0x88, s3;
	s6 =	simm.s32 @!p1 $0x1082;
	[sflag:s4] =	ssyncset.s32 $0xFFFFF086  }
0x25: {  	[simem:s6], [sflag:s4] =	dma.local [hbm:s3], $0xF7A  }
0x26: {  	[smem:$0x3F91] =	sst s1;
	(tag) =	ssettag s2;
	_ =	strace s9  }
0x27: {  	s1 =	sld [smem:$0x3FA1]  }
0x28: {  	s2 =	sld [smem:$0x3FA2]  }
0x29: {  	s4 =	sld [smem:$0x3FA4]  }
0x2a: {  	p0 =	seq.s32 s5, $0x0;
	s5 =	sld [smem:$0x3FA5]  }
0x2b: {  	s6 =	sld [smem:$0x3FA6]  }
0x2c: {  	s7 =	sld [smem:$0x3FA7]  }
0x2d: {  	s3 =	simm.s32 $0x108;
	s8 =	sld [smem:$0x3FA8]  }
0x2e: {  	s3 =	simm.s32 @!p0 $0x1082;
	s9 =	sld [smem:$0x3FA9]  }
0x2f: {  	lr =	sadd.s32 s0, s3;
	s0 =	sld [smem:$0x3FA0]  }
0x30: {  	s3 =	sld [smem:$0x3FA3]  }
0x31: {  	[smem:$0x3FAC] =	sst s10  }
0x32: {  	s10 =	sld [smem:$0x3FAA];
	_ =	sdelay $0x3  }
0x33: {  	p0 =	seq.s32 s10, $0x1;
	s10 =	sld [smem:$0x3FAC];
	_ =	sdelay $0x3  }
0x34: {  	[smem:$0x3FAC] =	sst s10  }
0x35: {  	s10 =	sld [smem:$0x3FAB];
	_ =	sdelay $0x3  }
0x36: {  	p1 =	seq.s32 s10, $0x1;
	s10 =	sld [smem:$0x3FAC];
	_ =	sdelay $0x3  }
0x37: {  	[smem:$0x3FAC] =	sst s10  }
0x38: {  	s10 =	sld [smem:$0x3FAD]  }
0x39: {  	_ = 	snop;
	(pc) =	sbr.ind lr, $3  }
0x3a: {  	_ = 	snop  }
0x3b: {  	_ = 	snop  }
0x3c: {  	p2 =	seq.s32 s10, $0x1;
	s10 =	sld [smem:$0x3FAC]  }
0x3d: {  	_ =	shalt  }
0x3e: {  	_ =	shalt  }
0x3f: {  	_ =	shalt  }
0x40: {  	_ =	shalt  }
0x41: {  	_ =	shalt  }
0x42: {  	_ =	shalt  }
0x43: {  	_ =	shalt  }
0x44: {  	_ =	shalt  }
0x45: {  	_ =	shalt  }
0x46: {  	_ =	shalt  }
0x47: {  	_ =	shalt  }
0x48: {  	_ =	shalt  }
0x49: {  	_ =	shalt  }
0x4a: {  	_ =	shalt  }
0x4b: {  	_ =	shalt  }
0x4c: {  	_ =	shalt  }
0x4d: {  	_ =	shalt  }
0x4e: {  	_ =	shalt  }
0x4f: {  	_ =	shalt  }
0x50: {  	_ =	shalt  }
0x51: {  	_ =	shalt  }
0x52: {  	_ =	shalt  }
0x53: {  	_ =	shalt  }
0x54: {  	_ =	shalt  }
0x55: {  	_ =	shalt  }
0x56: {  	_ =	shalt  }
0x57: {  	_ =	shalt  }
0x58: {  	_ =	shalt  }
0x59: {  	_ =	shalt  }
0x5a: {  	_ =	shalt  }
0x5b: {  	_ =	shalt  }
0x5c: {  	_ =	shalt  }
0x5d: {  	_ =	shalt  }
0x5e: {  	_ =	shalt  }
0x5f: {  	_ =	shalt  }
0x60: {  	_ =	shalt  }
0x61: {  	_ =	shalt  }
0x62: {  	_ =	shalt  }
0x63: {  	_ =	shalt  }
0x64: {  	_ =	shalt  }
0x65: {  	_ =	shalt  }
0x66: {  	_ =	shalt  }
0x67: {  	_ =	shalt  }
0x68: {  	_ =	shalt  }
0x69: {  	_ =	shalt  }
0x6a: {  	_ =	shalt  }
0x6b: {  	_ =	shalt  }
0x6c: {  	_ =	shalt  }
0x6d: {  	_ =	shalt  }
0x6e: {  	_ =	shalt  }
0x6f: {  	_ =	shalt  }
0x70: {  	_ =	shalt  }
0x71: {  	_ =	shalt  }
0x72: {  	_ =	shalt  }
0x73: {  	_ =	shalt  }
0x74: {  	_ =	shalt  }
0x75: {  	_ =	shalt  }
0x76: {  	_ =	shalt  }
0x77: {  	_ =	shalt  }
0x78: {  	_ =	shalt  }
0x79: {  	_ =	shalt  }
0x7a: {  	_ =	shalt  }
0x7b: {  	_ =	shalt  }
0x7c: {  	_ =	shalt  }
0x7d: {  	_ =	shalt  }
0x7e: {  	_ =	shalt  }
0x7f: {  	_ =	shalt  }
0x80: {  	_ =	shalt  }
0x81: {  	_ =	shalt  }
0x82: {  	_ =	shalt  }
0x83: {  	_ =	shalt  }
0x84: {  	_ =	shalt  }
0x85: {  	_ =	shalt  }
0x86: {  	_ =	shalt  }
0x87: {  	_ =	shalt  }
.Lfunc_end0:
.L_simem_size_0:
called_computation_lowered:
.L_overlay_start_0:
0x88: {  	s2 =	sld [smem:$0x3FD9]  }
0x89: {  	s3 =	sld [smem:$0x3FFE];
	_ =	sdelay $0x1  }
0x8a: {  	s1 =	srdreg.scid  }
0x8b: {  	s0 =	sand.u32 $0x1, s1  }
0x8c: {  	s17 =	sshll.u32 s0, $0xA;
	s2 =	sadd.s32 s3, s2  }
0x8d: {  	s2 =	sadd.s32 s2, s17  }
0x8e: {  	[smem:$0x3FB8] =	sst s2  }
0x8f: {  	_ = 	snop  }
0x90: {  	s2 =	sld [smem:$0x3FD0];
	(tm) =	ssettm $0x1  }
0x91: {  	s18 =	sld [smem:$0x3FFB];
	_ =	sdelay $0x3  }
0x92: {  	_ =	strace s18  }
0x93: {  	s3 =	sld [smem:$0x3FFC];
	_ =	sdelay $0x3  }
0x94: {  	_ =	strace s3  }
0x95: {  	s3 =	sld [smem:$0x3FFD];
	_ =	sdelay $0x3  }
0x96: {  	_ =	strace s3  }
0x97: {  	_ =	strace $0x8FFFFFFF  }
0x98: {  	s19 =	sld [smem:$0x3FDB];
	_ =	sdelay $0x1  }
0x99: {  	s4 =	simm.s32 $_scs_section_size  }
0x9a: {  	s5 =	simm.s32 $_size__tile_overlayer_lowered;
	s6 =	simm.s32 $_tile_overlayer_lowered  }
0x9b: {  	s22 =	simm.s32 $0x1BFF;
	s21 =	sshll.u32 s6, $0x1;
	s3 =	sadd.s32 s4, s19  }
0x9c: {  	s7 =	simm.s32 $0x0;
	s20 =	sshll.u32 s5, $0x1;
	s5 =	sadd.s32 s21, s3  }
0x9d: {  	[timem:s7], [sflag:s22] =	dma.local [hbm:s5], s20  }
0x9e: {  	_ =	swait.ge [sflag:s22], s20  }
0x9f: {  	s4 =	ssub.s32 $0x0, s20;
	[sflag:s22] =	ssyncset.done $0x0  }
0xa0: {  	[sflag:s22] =	ssyncadd.s32 s4;
	_ =	sdelay $0x1  }
0xa1: {  	s23 =	simm.s32 $0x1B8B  }
0xa2: {  	_ =	swait.ge [sflag:s23], $0x1  }
0xa3: {  	[sflag:s23] =	ssyncset.done $0x0  }
0xa4: {  	s25 =	simm.s32 $0x1B8E;
	s24 =	sld [smem:$0x3FFE];
	[sflag:s23] =	ssyncadd.s32 $0xFFFFFFFF  }
0xa5: {  	s26 =	simm.s32 $execute0_lowered;
	[smem:$0x3FD2] =	sst s25  }
0xa6: {  	s5 =	sshll.u32 s26, $0x1;
	_ =	strace $0x80000046;
	[dreg:$0x1] =	wrdreg $0xFFFFFFFF  }
0xa7: {  	s28 =	simm.s32 $_size_execute0_lowered;
	s3 =	sadd.s32 s3, s5;
	[dreg:$0x0] =	wrdreg $0x0  }
0xa8: {  	s5 =	sshll.u32 s28, $0x1;
	[dreg:$0x2] =	wrdreg s3  }
0xa9: {  	[dreg:$0x3] =	wrdreg s5  }
0xaa: {  	[dreg:$0x4] =	wrdreg $0xC0  }
0xab: {  	_ =	task [dreg:s7], $0x5FFFF  }
0xac: {  	[dreg:$0x1] =	wrdreg $0xFFFFFFFF  }
0xad: {  	[dreg:$0x0] =	wrdreg $0x60  }
0xae: {  	[dreg:$0x2] =	wrdreg s24  }
0xaf: {  	[dreg:$0x3] =	wrdreg s2  }
0xb0: {  	[dreg:$0x4] =	wrdreg $0x90000  }
0xb1: {  	[dreg:$0x5] =	wrdreg $0x9  }
0xb2: {  	_ =	task.clear_ibuf [dreg:s7], $0x6FFFF;
	_ =	strace $0x90000046  }
0xb3: {  	s29 =	simm.s32 $0x9;
	_ =	strace $0x80000048  }
0xb4: {  	_ =	swait.ge [sflag:s29], $0x1  }
0xb5: {  	[sflag:s29] =	ssyncadd.s32 $0xFFFFFFFF  }
0xb6: {  	_ =	strace $0x90000048  }
0xb7: {  	_ =	sfence  }
0xb8: {  	s30 =	sld [smem:$0x0];
	_ =	sdelay $0x2  }
0xb9: {  	s31 =	sshll.u32 s1, $0xD;
	s1 =	sshrl.u32 s1, $0x2  }
0xba: {  	s3 =	sand.u32 $0x4000, s31;
	s1 =	sadd.s32 s1, s30  }
0xbb: {  	s0 =	sor.u32 s3, s0;
	s1 =	sshll.u32 s1, $0x11  }
0xbc: {  	s0 =	sor.u32 s1, s0  }
0xbd: {  	s0 =	sadd.s32 $0x8F2B, s0  }
0xbe: {  	[sflag:s0] =	ssyncadd.remote.s32 $0x1  }
0xbf: {  	_ =	sfence.sel $0xFFFF  }
0xc0: {  	[dreg:$0x0] =	wrdreg $0xFFFFFFFF;
	(pc) =	sbr.abs _section_cstart, $3  }
0xc1: {  	[dreg:$0x1] =	wrdreg $0xFFFFFFFF  }
0xc2: {  	_ =	task.clear_ibuf [dreg:s7], $0x2FFFF;
	_ =	strace $0x9FFFFFFF  }
0xc3: {  	(tm) =	ssettm $0x7FFFFFFF  }
tec
execute0_lowered:
.L_overlay_start_1:
0x0: {  	(tag) =	ssettag $0x1  }
0x1: {  	s5 =	rddreg [dreg:$0x0]  }
0x2: {  	s7 =	rddreg [dreg:$0x1]  }
0x3: {  	s2 =	rddreg [dreg:$0x2]  }
0x4: {  	s0 =	rddreg [dreg:$0x3];
	s4 =	srdreg.scid  }
0x5: {  	s1 =	stileid.u32;
	s3 =	simm.s32 $0x0;
	s14 =	simm.s32 $0x80  }
0x6: {  	s15 =	simm.s32 $0x5000;
	s16 =	simm.s32 $0x1;
	s17 =	simm.s32 $0x0  }
0x7: {  	s6 =	sand.u32 $0x1, s4;
	s8 =	smul.u32 $0x14000, s1;
	[smem:$0x7FF] =	sst s3  }
0x8: {  	s26 =	sshll.u32 s1, $0x1;
	s4 =	sadd.s32 $0xDE00, s5;
	s11 =	smul.u32 $0x50000, s1  }
0x9: {  	s31 =	sshll.u32 s1, $0x6;
	s9 =	smul.u32 $0x140000, s6;
	s10 =	sor.u32 s6, s26  }
0xa: {  	_ =	strace $0x80000047;
	s6 =	ssub.s32 $0x2, s6;
	s10 =	smul.u32 $0x500, s10  }
0xb: {  	s28 =	sshrl.u32 s6, $0x1;
	s29 =	sshrl.u32 s11, $0x2;
	s30 =	sshrl.u32 s8, $0x3  }
0xc: {  	s9 =	sadd.s32 s8, s9;
	s13 =	ssub.s32 s6, s28;
	s11 =	sadd.s32 s29, s2  }
0xd: {  	s6 =	sor.u32 $0x1C02, s31;
	s9 =	sshrl.u32 s9, $0x3;
	s12 =	sadd.s32 s10, s5  }
0xe: {  	s7 =	sadd.s32 s7, s10;
	s10 =	smax.u32 s13, $0x1;
	s11 =	sshrl.u32 s11, $0x3  }
0xf: {  	s13 =	simm.s32 $0x2800;
	s9 =	sadd.s32 s9, s5;
	s5 =	sadd.s32 s4, s30  }
0x10: {  	s8 =	sadd.s32 $0x3E00, s12;
	s12 =	simm.s32 $0x2;
	s9 =	sadd.s32 $0x35E00, s9  }
.LBB2_1:
0x11: {  	[spmem:s11], [sflag:s6] =	dma.local [hbm:s5], $0x2800  }
0x12: {  	_ =	swait.ge [sflag:s12], $0x2800  }
0x13: {  	[sflag:s12] =	ssyncset.done $0x0  }
0x14: {  	[sflag:s12] =	ssyncadd.s32 $0xFFFFD800  }
0x15: {  	[tilespmem:s3], [sflag:$0x2] =	stream.linear.gather [hbm4b:s7+s3], $0x2780, $0x38;
	[tilespmem:$0x1D000] =	vst v63  }
0x16: {  	_ =	swait.ge [sflag:s12], $0x2780  }
0x17: {  	[sflag:s12] =	ssyncset.done $0x0  }
0x18: {  	[sflag:s12] =	ssyncadd.s32 $0xFFFFD880  }
0x19: {  	[tilespmem:s13], [sflag:$0x2] =	stream.linear.gather [hbm4b:s8+s3], $0x2780, $0x38;
	[tilespmem:$0x1D000] =	vst v63  }
0x1a: {  	_ =	swait.ge [sflag:s12], $0x2780  }
0x1b: {  	[sflag:s12] =	ssyncset.done $0x0  }
0x1c: {  	[sflag:s12] =	ssyncadd.s32 $0xFFFFD880  }
0x1d: {  	s18 =	simm.s32 $0x0;
	[bflag:$0x0] =	sbarrier.arrive $0xFFFF  }
0x1e: {  	[tilespmem:s15], [sflag:$0x1] =	stream.indirect.gather [hbm4b:s4+s14], $0x80, s18, s14, $0xb8;
	[tilespmem:$0x1D000] =	vst v63  }
0x1f: {  	_ =	swait.ge [sflag:s16], $0x4000  }
0x20: {  	[sflag:s16] =	ssyncset.done $0x0  }
0x21: {  	s31 =	simm.s32 $0x2800;
	[sflag:s16] =	ssyncadd.s32 $0xFFFFC000  }
0x22: {  	[spmem:s2] =	stream.indirect.scatter.add.f32 [tilespmem:s15], [sflag:$0x2], $0x80, s31, s14, $0xb8;
	[tilespmem:$0x1D000] =	vst v63  }
0x23: {  	_ =	swait.ge [sflag:s12], $0x4000  }
0x24: {  	s19 =	simm.s32 $0x400;
	s18 =	simm.s32 $0x200;
	[sflag:s12] =	ssyncset.done $0x0  }
.LBB2_2:
0x25: {  	s20 =	sshra.s32 s18, $0x2  }
0x26: {  	[sflag:s12] =	ssyncadd.s32 $0xFFFFC000;
	s18 =	smov.u32 s19;
	s21 =	sadd.s32 $0x200, s19  }
0x27: {  	[tilespmem:s15], [sflag:$0x1] =	stream.indirect.gather [hbm4b:s4+s14], $0x80, s20, s14, $0xb8;
	[tilespmem:$0x1D000] =	vst v63  }
0x28: {  	p0 =	sne.s32 s19, $0x9C00;
	_ =	swait.ge [sflag:s16], $0x4000  }
.Ltmp0:
0x29: {  	[sflag:s16] =	ssyncset.done $0x0;
	(pc) =	sbr.rel @p0 .LBB2_2-.Ltmp0, $4  }
0x2a: {  	s19 =	sadd.s32 $0x2800, s20;
	[sflag:s16] =	ssyncadd.s32 $0xFFFFC000  }
0x2b: {  	[spmem:s2] =	stream.indirect.scatter.add.f32 [tilespmem:s15], [sflag:$0x2], $0x80, s19, s14, $0xb8;
	[tilespmem:$0x1D000] =	vst v63  }
0x2c: {  	_ =	swait.ge [sflag:s12], $0x4000  }
0x2d: {  	s19 =	smov.u32 s21;
	[sflag:s12] =	ssyncset.done $0x0  }
0x2e: {  	s18 =	sshra.s32 s18, $0x2;
	[sflag:s12] =	ssyncadd.s32 $0xFFFFC000  }
0x2f: {  	[tilespmem:s15], [sflag:$0x1] =	stream.indirect.gather [hbm4b:s4+s14], $0x80, s18, s14, $0xb8;
	[tilespmem:$0x1D000] =	vst v63  }
0x30: {  	_ =	swait.ge [sflag:s16], $0x4000  }
0x31: {  	[sflag:s16] =	ssyncset.done $0x0  }
0x32: {  	s18 =	sadd.s32 $0x2800, s18;
	[sflag:s16] =	ssyncadd.s32 $0xFFFFC000  }
0x33: {  	[spmem:s2] =	stream.indirect.scatter.add.f32 [tilespmem:s15], [sflag:$0x2], $0x80, s18, s14, $0xb8;
	[tilespmem:$0x1D000] =	vst v63  }
0x34: {  	_ =	swait.ge [sflag:s12], $0x4000  }
0x35: {  	s17 =	sadd.s32 $0x1, s17;
	[sflag:s12] =	ssyncset.done $0x0  }
0x36: {  	p0 =	sne.s32 s17, s10;
	[sflag:s12] =	ssyncadd.s32 $0xFFFFC000  }
.Ltmp1:
0x37: {  	[bflag:$0x0] =	sbarrier.arrive $0xFFFF;
	(pc) =	sbr.rel @p0 .LBB2_1-.Ltmp1, $4  }
0x38: {  	[hbm:s9], [sflag:s6] =	dma.local [spmem:s11], $0x2800  }
0x39: {  	_ =	swait.ge [sflag:s12], $0x2800  }
0x3a: {  	[sflag:s12] =	ssyncset.done $0x0  }
0x3b: {  	[sflag:s12] =	ssyncadd.s32 $0xFFFFD800  }
0x3c: {  	_ =	sfence.sel $0x180000  }
0x3d: {  	[bflag:$0x0] =	sbarrier.arrive $0xFFFF  }
0x3e: {  	p0 =	sne.s32 s1, $0x0;
	_ =	strace $0x90000047  }
0x3f: {  	s0 =	sadd.s32 @!p0 $0x100000, s0;
	[bflag:$0x2] =	sbarrier.arrive $0xFFFF  }
0x40: {  	[sflag:s0] =	ssyncadd.tile.s32 @!p0 $0x1;
	_ =	shalt  }
.Lfunc_end2:
_tile_overlayer_lowered:
.L_overlay_start_2:
0x41: {  	(tag) =	ssettag $0x2  }
0x42: {  	s0 =	rddreg [dreg:$0x0];
	s2 =	stileid.u32  }
0x43: {  	s1 =	rddreg [dreg:$0x1];
	p0 =	sne.s32 s2, $0x0  }
0x44: {  	s3 =	rddreg [dreg:$0x2];
	[bflag:$0x3] =	sbarrier.arrive $0xFFFF;
	s2 =	simm.s32 @!p0 $0x1C02  }
0x45: {  	[timem:s3], [sflag:s2] =	dma.local @!p0 [hbm:s0], s1  }
0x46: {  	s0 =	simm.s32 @!p0 $0x2  }
0x47: {  	_ =	swait.ge @!p0 [sflag:s0], s1  }
0x48: {  	s1 =	ssub.s32 @!p0 $0x0, s1;
	[sflag:s0] =	ssyncset.done @!p0 $0x0  }
0x49: {  	[sflag:s0] =	ssyncadd.s32 @!p0 s1  }
0x4a: {  	[bflag:$0x3] =	sbarrier.arrive $0xFFFF  }
0x4b: {  	_ =	shalt  }

</sc_bundles>
